<compile_context>
chip_gen: v7x
topology: tpu7x:2x2x1
jax: 0.10.2.dev20260603
libtpu: 0.0.44.dev20260713+nightly
codegen_flags: <defaults>
</compile_context>

<pallas_src>
import jax
import jax.numpy as jnp
from jax import lax
from jax.experimental import pallas as pl
from jax.experimental.pallas import tpu as pltpu
from jax.experimental.pallas import tpu_sc as plsc

N_NODES = 10000
N_EDGES = 320000
D = 128
DP = D // 2

NC, NS, L = 2, 16, 16
NW = NC * NS
EPW = N_EDGES // NW
CHUNK = 80
NCHUNK = EPW // CHUNK
NPAIR = NCHUNK // 2
RPT = 640


def _edge_sc(g_hbm, idx_hbm, ex_hbm, out_hbm,
             s0, s1, d0, d1, g0, g1, e0, e1, agg_sh,
             sr0, sr1, sg0, sg1, sd0, sd1, se0, se1, ss0, ss1):
    cid = lax.axis_index("c")
    sid = lax.axis_index("s")
    wid = sid * NC + cid
    base = wid * EPW

    def fetch_src(c, sbuf, sem):
        pltpu.async_copy(idx_hbm.at[pl.ds(base + c * CHUNK, CHUNK)],
                         sbuf, sem)

    def wait_src(c, sbuf, sem):
        pltpu.make_async_copy(idx_hbm.at[pl.ds(base + c * CHUNK, CHUNK)],
                              sbuf, sem).wait()

    def fetch(c, sbuf, gbuf, dbuf, ebuf, gsem, dsem, esem):
        pltpu.async_copy(g_hbm.at[sbuf], gbuf, gsem)
        pltpu.async_copy(idx_hbm.at[pl.ds(N_EDGES + base + c * CHUNK, CHUNK)],
                         dbuf, dsem)
        pltpu.async_copy(
            ex_hbm.at[pl.ds((wid * NCHUNK + c) * (CHUNK // 2), CHUNK // 2)],
            ebuf, esem)

    def wait_fetch(c, sbuf, gbuf, dbuf, ebuf, gsem, dsem, esem):
        pltpu.make_async_copy(g_hbm.at[sbuf], gbuf, gsem).wait()
        pltpu.make_async_copy(idx_hbm.at[pl.ds(N_EDGES + base + c * CHUNK, CHUNK)],
                              dbuf, dsem).wait()
        pltpu.make_async_copy(
            ex_hbm.at[pl.ds((wid * NCHUNK + c) * (CHUNK // 2), CHUNK // 2)],
            ebuf, esem).wait()

    def compute(gbuf, ebuf):
        def rows(t, carry):
            for u in range(2):
                r = t + u * (CHUNK // 2)
                for j in range(DP // L):
                    we = ebuf[t, pl.ds(u * DP + L * j, L)]
                    elo = lax.bitcast_convert_type(
                        jnp.left_shift(we, 16), jnp.float32)
                    ehi = lax.bitcast_convert_type(
                        jnp.bitwise_and(we, jnp.int32(-65536)), jnp.float32)
                    slo = pl.ds(L * j, L)
                    shi = pl.ds(DP + L * j, L)
                    gbuf[r, slo] = jnp.maximum(gbuf[r, slo] + elo, 0.0)
                    gbuf[r, shi] = jnp.maximum(gbuf[r, shi] + ehi, 0.0)
            return carry

        lax.fori_loop(0, CHUNK // 2, rows, 0)

    def scatter(dbuf, gbuf, ssem):
        pltpu.async_copy(gbuf, agg_sh.at[dbuf], ssem, add=True)

    def wait_scatter(dbuf, gbuf, ssem):
        pltpu.make_async_copy(gbuf, agg_sh.at[dbuf], ssem).wait()

    fetch_src(0, s0, sr0)
    fetch_src(1, s1, sr1)

    def zrow(r, carry):
        for j in range(D // L):
            g0[r, pl.ds(j * L, L)] = jnp.zeros((L,), jnp.float32)
        return carry

    lax.fori_loop(0, CHUNK, zrow, 0)

    n_zero = jnp.where(sid == NS - 1, (N_NODES - (NS - 1) * RPT) // CHUNK,
                       RPT // CHUNK)

    def zcopy(k, carry):
        pltpu.sync_copy(g0, agg_sh.at[pl.ds(sid * RPT + k * CHUNK, CHUNK)])
        return carry

    lax.fori_loop(0, n_zero, zcopy, 0)
    wait_src(0, s0, sr0)
    fetch(0, s0, g0, d0, e0, sg0, sd0, se0)
    plsc.subcore_barrier()

    def step(g, carry):
        c0 = 2 * g
        c1 = c0 + 1
        wait_fetch(c0, s0, g0, d0, e0, sg0, sd0, se0)
        fetch_src(c0 + 2, s0, sr0)

        @pl.when(g > 0)
        def _():
            wait_scatter(d1, g1, ss1)

        wait_src(c1, s1, sr1)
        fetch(c1, s1, g1, d1, e1, sg1, sd1, se1)
        compute(g0, e0)
        scatter(d0, g0, ss0)

        wait_fetch(c1, s1, g1, d1, e1, sg1, sd1, se1)
        wait_scatter(d0, g0, ss0)
        wait_src(c0 + 2, s0, sr0)
        fetch(c0 + 2, s0, g0, d0, e0, sg0, sd0, se0)

        @pl.when(g < NPAIR - 1)
        def _():
            fetch_src(c1 + 2, s1, sr1)

        compute(g1, e1)
        scatter(d1, g1, ss1)
        return carry

    lax.fori_loop(0, NPAIR, step, 0)

    wait_fetch(NCHUNK - 1, s0, g0, d0, e0, sg0, sd0, se0)
    wait_scatter(d1, g1, ss1)
    compute(g0, e0)
    scatter(d0, g0, ss0)
    wait_scatter(d0, g0, ss0)
    plsc.subcore_barrier()

    n_out = jnp.where(sid == NS - 1, (N_NODES - (NS - 1) * RPT) // 80,
                      RPT // 80)

    def wcopy(k, carry):
        s = pl.ds(sid * RPT + k * 80, 80)
        pltpu.sync_copy(agg_sh.at[s], out_hbm.at[cid, s])
        return carry

    lax.fori_loop(0, n_out, wcopy, 0)


def _mm_body(x_ref, w_ref, o_ref):
    o_ref[...] = jnp.dot(x_ref[...], w_ref[...],
                         preferred_element_type=jnp.float32)


def _pk(lo, hi):
    ai = lax.bitcast_convert_type(
        lo.astype(jnp.bfloat16).astype(jnp.float32), jnp.uint32) >> 16
    bi = lax.bitcast_convert_type(
        hi.astype(jnp.bfloat16).astype(jnp.float32),
        jnp.uint32) & jnp.uint32(0xFFFF0000)
    return lax.bitcast_convert_type(ai | bi, jnp.int32)


def _mm_pack_body(x1_ref, x2_ref, w_ref, o_ref):
    n = x1_ref.shape[0] * x1_ref.shape[1]
    x1 = x1_ref[...].reshape(n, 16)
    x2 = x2_ref[...].reshape(n, 16)
    y1 = jnp.dot(x1, w_ref[...], preferred_element_type=jnp.float32)
    y2 = jnp.dot(x2, w_ref[...], preferred_element_type=jnp.float32)
    o_ref[:, :DP] = _pk(y1[:, :DP], y1[:, DP:])
    o_ref[:, DP:] = _pk(y2[:, :DP], y2[:, DP:])


def _final_body(h_ref, p_ref, w2h_ref, w2a_ref, o_ref):
    agg = p_ref[0] + p_ref[1]
    y = (jnp.dot(h_ref[...], w2h_ref[...], preferred_element_type=jnp.float32)
         + jnp.dot(agg, w2a_ref[...], preferred_element_type=jnp.float32))
    o_ref[...] = jnp.maximum(y, 0.0) + h_ref[...]


@jax.jit
def kernel(H, idx, X_e, W1, W2):
    idx = idx.astype(jnp.int32).reshape(2 * N_EDGES)

    G = pl.pallas_call(
        _mm_body,
        out_shape=jax.ShapeDtypeStruct((N_NODES, D), jnp.float32),
    )(H, W1[:D])

    n_eb = 32
    ncb = N_EDGES // CHUNK // n_eb
    X3 = X_e.reshape(N_EDGES // CHUNK, CHUNK, 16)
    Ex = pl.pallas_call(
        _mm_pack_body,
        grid=(n_eb,),
        in_specs=[
            pl.BlockSpec((ncb, CHUNK // 2, 16), lambda i: (i, 0, 0)),
            pl.BlockSpec((ncb, CHUNK // 2, 16), lambda i: (i, 1, 0)),
            pl.BlockSpec((16, D), lambda i: (0, 0)),
        ],
        out_specs=pl.BlockSpec((ncb * CHUNK // 2, D), lambda i: (i, 0)),
        out_shape=jax.ShapeDtypeStruct((N_EDGES // 2, D), jnp.int32),
    )(X3, X3, W1[D:])

    mesh = plsc.VectorSubcoreMesh(core_axis_name="c", subcore_axis_name="s",
                                  num_cores=NC, num_subcores=NS)
    partials = pl.kernel(
        _edge_sc,
        out_type=jax.ShapeDtypeStruct((NC, N_NODES, D), jnp.float32),
        mesh=mesh,
        scratch_types=[
            pltpu.VMEM((CHUNK,), jnp.int32),
            pltpu.VMEM((CHUNK,), jnp.int32),
            pltpu.VMEM((CHUNK,), jnp.int32),
            pltpu.VMEM((CHUNK,), jnp.int32),
            pltpu.VMEM((CHUNK, D), jnp.float32),
            pltpu.VMEM((CHUNK, D), jnp.float32),
            pltpu.VMEM((CHUNK // 2, D), jnp.int32),
            pltpu.VMEM((CHUNK // 2, D), jnp.int32),
            pltpu.VMEM_SHARED((N_NODES, D), jnp.float32),
        ] + [pltpu.SemaphoreType.DMA] * 10,
    )(G, idx, Ex)

    out = pl.pallas_call(
        _final_body,
        out_shape=jax.ShapeDtypeStruct((N_NODES, D), jnp.float32),
    )(H, partials, W2[:D], W2[D:])
    return out

# --- scband reference (transcript-rebuilt; emitter-appended) ---
"""Pipeline reference for scband-gnn-layer-2422361555230 (READ-ONLY COPY).

The authoritative reference and input builder live on the scoring server;
editing this copy changes nothing except your own understanding.
"""

import jax, jax.numpy as jnp
import numpy as np

N_NODES = 10000
N_EDGES = 320000
D_FEAT = 128
D_EDGE = 16
DIM_IN = D_FEAT + D_EDGE  # 144
HIDDEN = 128
HIDDEN2 = D_FEAT + HIDDEN  # 256


def setup_inputs(seed: int = 0) -> dict:
    key = jax.random.key(seed)
    k1, k2, k3, k4, k5 = jax.random.split(key, 5)
    H = jax.random.normal(k1, (N_NODES, D_FEAT), dtype=jnp.float32)
    idx = jax.random.randint(k2, (2, N_EDGES), 0, N_NODES, dtype=jnp.int64 if jax.config.jax_enable_x64 else jnp.int32)
    X_e = jax.random.normal(k3, (N_EDGES, D_EDGE), dtype=jnp.float32)
    # kaiming_normal_ (fan_in mode, relu gain): std = sqrt(2 / fan_in), fan_in = size(1)
    W1 = jax.random.normal(k4, (DIM_IN, HIDDEN), dtype=jnp.float32) * np.sqrt(2.0 / HIDDEN)
    W2 = jax.random.normal(k5, (HIDDEN2, HIDDEN), dtype=jnp.float32) * np.sqrt(2.0 / HIDDEN)
    return {"H": H, "idx": idx, "X_e": X_e, "W1": W1, "W2": W2}


def reference(H, idx, X_e, W1, W2):
    # x = cat(H[src], X_e)
    x = jnp.concatenate([jnp.take(H, idx[0], axis=0), X_e], axis=1)
    y = jnp.matmul(x, W1)
    y = jax.nn.relu(y)
    # scatter_sum over destination nodes
    y = jax.ops.segment_sum(y, idx[1], num_segments=H.shape[0])
    y = jnp.concatenate([H, y], axis=1)
    y = jnp.matmul(y, W2)
    y = jax.nn.relu(y)
    # residual connection
    y = y + H
    return y

if __name__ == "__main__":
    import jax
    _d = setup_inputs()
    print(jax.jit(kernel)(*tuple(_d.values())))

</pallas_src>

<mosaic_0001>
#map = affine_map<(d0, d1) -> (0, 0)>
#map1 = affine_map<(d0, d1) -> (0)>
#map2 = affine_map<(d0, d1) -> (0, 0, 0)>
module attributes {stable_mosaic.version = 14 : i64} {
  func.func @_edge_sc(%arg0: i32, %arg1: i32, %arg2: memref<10000x128xf32, #tpu.memory_space<hbm>>, %arg3: memref<640000xi32, #tpu.memory_space<hbm>>, %arg4: memref<160000x128xi32, #tpu.memory_space<hbm>>, %arg5: memref<2x10000x128xf32, #tpu.memory_space<hbm>>, %arg6: memref<80xi32, #tpu.memory_space<vmem>>, %arg7: memref<80xi32, #tpu.memory_space<vmem>>, %arg8: memref<80xi32, #tpu.memory_space<vmem>>, %arg9: memref<80xi32, #tpu.memory_space<vmem>>, %arg10: memref<80x128xf32, #tpu.memory_space<vmem>>, %arg11: memref<80x128xf32, #tpu.memory_space<vmem>>, %arg12: memref<40x128xi32, #tpu.memory_space<vmem>>, %arg13: memref<40x128xi32, #tpu.memory_space<vmem>>, %arg14: memref<10000x128xf32, #tpu.memory_space<vmem_shared>>, %arg15: memref<!tpu.dma_semaphore, #tpu.memory_space<semaphore_mem>>, %arg16: memref<!tpu.dma_semaphore, #tpu.memory_space<semaphore_mem>>, %arg17: memref<!tpu.dma_semaphore, #tpu.memory_space<semaphore_mem>>, %arg18: memref<!tpu.dma_semaphore, #tpu.memory_space<semaphore_mem>>, %arg19: memref<!tpu.dma_semaphore, #tpu.memory_space<semaphore_mem>>, %arg20: memref<!tpu.dma_semaphore, #tpu.memory_space<semaphore_mem>>, %arg21: memref<!tpu.dma_semaphore, #tpu.memory_space<semaphore_mem>>, %arg22: memref<!tpu.dma_semaphore, #tpu.memory_space<semaphore_mem>>, %arg23: memref<!tpu.dma_semaphore, #tpu.memory_space<semaphore_mem>>, %arg24: memref<!tpu.dma_semaphore, #tpu.memory_space<semaphore_mem>>) attributes {dimension_semantics = [#tpu.dimension_semantics<core_parallel>, #tpu.dimension_semantics<subcore_parallel>], iteration_bounds = array<i64: 2, 16>, scalar_prefetch = 0 : i64, scratch_operands = 19 : i64, tpu.core_type = #tpu.core_type<sc_vector_subcore>, window_params = [{transform_indices = #map}, {transform_indices = #map1}, {transform_indices = #map}, {transform_indices = #map2}]} {
    %mul3A = arith.constant 2 : i32
    %mul3A_0 = arith.muli %arg1, %mul3A : i32
    %add3A = arith.addi %mul3A_0, %arg0 : i32
    %mul3A_1 = arith.constant 10000 : i32
    %mul3A_2 = arith.muli %add3A, %mul3A_1 : i32
    %add3A_3 = arith.constant 0 : i32
    %add3A_4 = arith.addi %mul3A_2, %add3A_3 : i32
    %dma_start3A = tpu.memref_slice %arg3[%add3A_4] : memref<640000xi32, #tpu.memory_space<hbm>> -> memref<80xi32, #tpu.memory_space<hbm>>
    %dma_start3A_5 = tpu.memref_slice %arg3[%add3A_4] : memref<640000xi32, #tpu.memory_space<hbm>> -> memref<80xi32, #tpu.memory_space<hbm>>
    tpu.enqueue_dma source(%dma_start3A_5 : memref<80xi32, #tpu.memory_space<hbm>>) target(%arg6 : memref<80xi32, #tpu.memory_space<vmem>>) target_semaphore(%arg15 : memref<!tpu.dma_semaphore, #tpu.memory_space<semaphore_mem>>)
    %add3A_6 = arith.constant 80 : i32
    %add3A_7 = arith.addi %mul3A_2, %add3A_6 : i32
    %dma_start3A_8 = tpu.memref_slice %arg3[%add3A_7] : memref<640000xi32, #tpu.memory_space<hbm>> -> memref<80xi32, #tpu.memory_space<hbm>>
    %dma_start3A_9 = tpu.memref_slice %arg3[%add3A_7] : memref<640000xi32, #tpu.memory_space<hbm>> -> memref<80xi32, #tpu.memory_space<hbm>>
    tpu.enqueue_dma source(%dma_start3A_9 : memref<80xi32, #tpu.memory_space<hbm>>) target(%arg7 : memref<80xi32, #tpu.memory_space<vmem>>) target_semaphore(%arg16 : memref<!tpu.dma_semaphore, #tpu.memory_space<semaphore_mem>>)
    %scan3A = arith.constant 0 : i32
    %scan3A_10 = arith.constant 0 : i32
    %scan3A_11 = arith.constant 80 : i32
    %scan3A_12 = arith.addi %scan3A_10, %scan3A_11 : i32
    %scan3A_13 = arith.constant 1 : i32
    scf.for %scan3A_104 = %scan3A_10 to %scan3A_12 step %scan3A_13  : i32 {
      %broadcast_in_dim3A = arith.constant 0.000000e+00 : f32
      %broadcast_in_dim3A_105 = vector.broadcast %broadcast_in_dim3A : f32 to vector<16xf32>
      %swap3A = arith.index_cast %scan3A_104 : i32 to index
      %swap3A_106 = arith.constant 0 : index
      %swap3A_107 = tpu.vector_load %arg10[%swap3A, %swap3A_106] {strides = array<i32>} : memref<80x128xf32, #tpu.memory_space<vmem>>, vector<1x16xf32>,
      %swap3A_108 = vector.shape_cast %swap3A_107 : vector<1x16xf32> to vector<16xf32>
      %swap3A_109 = vector.shape_cast %broadcast_in_dim3A_105 : vector<16xf32> to vector<1x16xf32>
      tpu.vector_store %arg10[%swap3A, %swap3A_106], %swap3A_109 {strides = array<i32>} : memref<80x128xf32, #tpu.memory_space<vmem>>, vector<1x16xf32>,
      %broadcast_in_dim3A_110 = arith.constant 0.000000e+00 : f32
      %broadcast_in_dim3A_111 = vector.broadcast %broadcast_in_dim3A_110 : f32 to vector<16xf32>
      %swap3A_112 = arith.index_cast %scan3A_104 : i32 to index
      %swap3A_113 = arith.constant 16 : index
      %swap3A_114 = tpu.vector_load %arg10[%swap3A_112, %swap3A_113] {strides = array<i32>} : memref<80x128xf32, #tpu.memory_space<vmem>>, vector<1x16xf32>,
      %swap3A_115 = vector.shape_cast %swap3A_114 : vector<1x16xf32> to vector<16xf32>
      %swap3A_116 = vector.shape_cast %broadcast_in_dim3A_111 : vector<16xf32> to vector<1x16xf32>
      tpu.vector_store %arg10[%swap3A_112, %swap3A_113], %swap3A_116 {strides = array<i32>} : memref<80x128xf32, #tpu.memory_space<vmem>>, vector<1x16xf32>,
      %broadcast_in_dim3A_117 = arith.constant 0.000000e+00 : f32
      %broadcast_in_dim3A_118 = vector.broadcast %broadcast_in_dim3A_117 : f32 to vector<16xf32>
      %swap3A_119 = arith.index_cast %scan3A_104 : i32 to index
      %swap3A_120 = arith.constant 32 : index
      %swap3A_121 = tpu.vector_load %arg10[%swap3A_119, %swap3A_120] {strides = array<i32>} : memref<80x128xf32, #tpu.memory_space<vmem>>, vector<1x16xf32>,
      %swap3A_122 = vector.shape_cast %swap3A_121 : vector<1x16xf32> to vector<16xf32>
      %swap3A_123 = vector.shape_cast %broadcast_in_dim3A_118 : vector<16xf32> to vector<1x16xf32>
      tpu.vector_store %arg10[%swap3A_119, %swap3A_120], %swap3A_123 {strides = array<i32>} : memref<80x128xf32, #tpu.memory_space<vmem>>, vector<1x16xf32>,
      %broadcast_in_dim3A_124 = arith.constant 0.000000e+00 : f32
      %broadcast_in_dim3A_125 = vector.broadcast %broadcast_in_dim3A_124 : f32 to vector<16xf32>
      %swap3A_126 = arith.index_cast %scan3A_104 : i32 to index
      %swap3A_127 = arith.constant 48 : index
      %swap3A_128 = tpu.vector_load %arg10[%swap3A_126, %swap3A_127] {strides = array<i32>} : memref<80x128xf32, #tpu.memory_space<vmem>>, vector<1x16xf32>,
      %swap3A_129 = vector.shape_cast %swap3A_128 : vector<1x16xf32> to vector<16xf32>
      %swap3A_130 = vector.shape_cast %broadcast_in_dim3A_125 : vector<16xf32> to vector<1x16xf32>
      tpu.vector_store %arg10[%swap3A_126, %swap3A_127], %swap3A_130 {strides = array<i32>} : memref<80x128xf32, #tpu.memory_space<vmem>>, vector<1x16xf32>,
      %broadcast_in_dim3A_131 = arith.constant 0.000000e+00 : f32
      %broadcast_in_dim3A_132 = vector.broadcast %broadcast_in_dim3A_131 : f32 to vector<16xf32>
      %swap3A_133 = arith.index_cast %scan3A_104 : i32 to index
      %swap3A_134 = arith.constant 64 : index
      %swap3A_135 = tpu.vector_load %arg10[%swap3A_133, %swap3A_134] {strides = array<i32>} : memref<80x128xf32, #tpu.memory_space<vmem>>, vector<1x16xf32>,
      %swap3A_136 = vector.shape_cast %swap3A_135 : vector<1x16xf32> to vector<16xf32>
      %swap3A_137 = vector.shape_cast %broadcast_in_dim3A_132 : vector<16xf32> to vector<1x16xf32>
      tpu.vector_store %arg10[%swap3A_133, %swap3A_134], %swap3A_137 {strides = array<i32>} : memref<80x128xf32, #tpu.memory_space<vmem>>, vector<1x16xf32>,
      %broadcast_in_dim3A_138 = arith.constant 0.000000e+00 : f32
      %broadcast_in_dim3A_139 = vector.broadcast %broadcast_in_dim3A_138 : f32 to vector<16xf32>
      %swap3A_140 = arith.index_cast %scan3A_104 : i32 to index
      %swap3A_141 = arith.constant 80 : index
      %swap3A_142 = tpu.vector_load %arg10[%swap3A_140, %swap3A_141] {strides = array<i32>} : memref<80x128xf32, #tpu.memory_space<vmem>>, vector<1x16xf32>,
      %swap3A_143 = vector.shape_cast %swap3A_142 : vector<1x16xf32> to vector<16xf32>
      %swap3A_144 = vector.shape_cast %broadcast_in_dim3A_139 : vector<16xf32> to vector<1x16xf32>
      tpu.vector_store %arg10[%swap3A_140, %swap3A_141], %swap3A_144 {strides = array<i32>} : memref<80x128xf32, #tpu.memory_space<vmem>>, vector<1x16xf32>,
      %broadcast_in_dim3A_145 = arith.constant 0.000000e+00 : f32
      %broadcast_in_dim3A_146 = vector.broadcast %broadcast_in_dim3A_145 : f32 to vector<16xf32>
      %swap3A_147 = arith.index_cast %scan3A_104 : i32 to index
      %swap3A_148 = arith.constant 96 : index
      %swap3A_149 = tpu.vector_load %arg10[%swap3A_147, %swap3A_148] {strides = array<i32>} : memref<80x128xf32, #tpu.memory_space<vmem>>, vector<1x16xf32>,
      %swap3A_150 = vector.shape_cast %swap3A_149 : vector<1x16xf32> to vector<16xf32>
      %swap3A_151 = vector.shape_cast %broadcast_in_dim3A_146 : vector<16xf32> to vector<1x16xf32>
      tpu.vector_store %arg10[%swap3A_147, %swap3A_148], %swap3A_151 {strides = array<i32>} : memref<80x128xf32, #tpu.memory_space<vmem>>, vector<1x16xf32>,
      %broadcast_in_dim3A_152 = arith.constant 0.000000e+00 : f32
      %broadcast_in_dim3A_153 = vector.broadcast %broadcast_in_dim3A_152 : f32 to vector<16xf32>
      %swap3A_154 = arith.index_cast %scan3A_104 : i32 to index
      %swap3A_155 = arith.constant 112 : index
      %swap3A_156 = tpu.vector_load %arg10[%swap3A_154, %swap3A_155] {strides = array<i32>} : memref<80x128xf32, #tpu.memory_space<vmem>>, vector<1x16xf32>,
      %swap3A_157 = vector.shape_cast %swap3A_156 : vector<1x16xf32> to vector<16xf32>
      %swap3A_158 = vector.shape_cast %broadcast_in_dim3A_153 : vector<16xf32> to vector<1x16xf32>
      tpu.vector_store %arg10[%swap3A_154, %swap3A_155], %swap3A_158 {strides = array<i32>} : memref<80x128xf32, #tpu.memory_space<vmem>>, vector<1x16xf32>,
    }
    %scan3A_14 = arith.constant 80 : i32
    %eq3A = arith.constant 15 : i32
    %eq3A_15 = arith.cmpi eq, %arg1, %eq3A : i32
    %jit3A = arith.constant 5 : i32
    %jit3A_16 = arith.constant 8 : i32
    %select_n3A = arith.select %eq3A_15, %jit3A, %jit3A_16 : i32
    %while3A = arith.constant 0 : i32
    %while3A_17 = arith.constant 0 : i32
    %while3A_18 = arith.subi %select_n3A, %while3A_17 : i32
    %while3A_19 = arith.addi %while3A_17, %while3A_18 : i32
    %while3A_20 = arith.constant 1 : i32
    %while3A_21 = arith.divsi %while3A_18, %while3A_20 : i32
    %while3A_22 = arith.muli %while3A_21, %while3A_20 : i32
    %while3A_23 = arith.addi %while3A_17, %while3A_22 : i32
    %while3A_24 = arith.constant 1 : i32
    scf.for %while3A_104 = %while3A_17 to %while3A_23 step %while3A_24  : i32 {
      %mul3A_105 = arith.constant 640 : i32
      %mul3A_106 = arith.muli %arg1, %mul3A_105 : i32
      %mul3A_107 = arith.constant 80 : i32
      %mul3A_108 = arith.muli %while3A_104, %mul3A_107 : i32
      %add3A_109 = arith.addi %mul3A_106, %mul3A_108 : i32
      "tpu.region"() ({
        %run_scoped3A = tpu.sem_alloc : memref<!tpu.dma_semaphore, #tpu.memory_space<semaphore_mem>>
        %dma_start3A_110 = arith.constant 0 : i32
        %dma_start3A_111 = tpu.memref_slice %arg14[%add3A_109, %dma_start3A_110] : memref<10000x128xf32, #tpu.memory_space<vmem_shared>> -> memref<80x128xf32, #tpu.memory_space<vmem_shared>>
        %dma_start3A_112 = arith.constant 0 : i32
        %dma_start3A_113 = tpu.memref_slice %arg14[%add3A_109, %dma_start3A_112] : memref<10000x128xf32, #tpu.memory_space<vmem_shared>> -> memref<80x128xf32, #tpu.memory_space<vmem_shared>>
        tpu.enqueue_dma source(%arg10 : memref<80x128xf32, #tpu.memory_space<vmem>>) target(%dma_start3A_113 : memref<80x128xf32, #tpu.memory_space<vmem_shared>>) target_semaphore(%run_scoped3A : memref<!tpu.dma_semaphore, #tpu.memory_space<semaphore_mem>>)
        %dma_wait3A_114 = arith.constant 0 : i32
        %dma_wait3A_115 = tpu.memref_slice %arg14[%add3A_109, %dma_wait3A_114] : memref<10000x128xf32, #tpu.memory_space<vmem_shared>> -> memref<80x128xf32, #tpu.memory_space<vmem_shared>>
        %dma_wait3A_116 = arith.constant 0 : i32
        %dma_wait3A_117 = tpu.memref_slice %arg14[%add3A_109, %dma_wait3A_116] : memref<10000x128xf32, #tpu.memory_space<vmem_shared>> -> memref<80x128xf32, #tpu.memory_space<vmem_shared>>
        tpu.wait_dma2 semaphore(%run_scoped3A : memref<!tpu.dma_semaphore, #tpu.memory_space<semaphore_mem>>) src(%arg10 : memref<80x128xf32, #tpu.memory_space<vmem>>) dst(%dma_wait3A_117 : memref<80x128xf32, #tpu.memory_space<vmem_shared>>)
        tpu.yield
      }) : () -> ()
    }
    %while3A_25 = arith.constant 1 : i32
    scf.for %while3A_104 = %while3A_23 to %while3A_19 step %while3A_25  : i32 {
      %mul3A_105 = arith.constant 640 : i32
      %mul3A_106 = arith.muli %arg1, %mul3A_105 : i32
      %mul3A_107 = arith.constant 80 : i32
      %mul3A_108 = arith.muli %while3A_104, %mul3A_107 : i32
      %add3A_109 = arith.addi %mul3A_106, %mul3A_108 : i32
      "tpu.region"() ({
        %run_scoped3A = tpu.sem_alloc : memref<!tpu.dma_semaphore, #tpu.memory_space<semaphore_mem>>
        %dma_start3A_110 = arith.constant 0 : i32
        %dma_start3A_111 = tpu.memref_slice %arg14[%add3A_109, %dma_start3A_110] : memref<10000x128xf32, #tpu.memory_space<vmem_shared>> -> memref<80x128xf32, #tpu.memory_space<vmem_shared>>
        %dma_start3A_112 = arith.constant 0 : i32
        %dma_start3A_113 = tpu.memref_slice %arg14[%add3A_109, %dma_start3A_112] : memref<10000x128xf32, #tpu.memory_space<vmem_shared>> -> memref<80x128xf32, #tpu.memory_space<vmem_shared>>
        tpu.enqueue_dma source(%arg10 : memref<80x128xf32, #tpu.memory_space<vmem>>) target(%dma_start3A_113 : memref<80x128xf32, #tpu.memory_space<vmem_shared>>) target_semaphore(%run_scoped3A : memref<!tpu.dma_semaphore, #tpu.memory_space<semaphore_mem>>)
        %dma_wait3A_114 = arith.constant 0 : i32
        %dma_wait3A_115 = tpu.memref_slice %arg14[%add3A_109, %dma_wait3A_114] : memref<10000x128xf32, #tpu.memory_space<vmem_shared>> -> memref<80x128xf32, #tpu.memory_space<vmem_shared>>
        %dma_wait3A_116 = arith.constant 0 : i32
        %dma_wait3A_117 = tpu.memref_slice %arg14[%add3A_109, %dma_wait3A_116] : memref<10000x128xf32, #tpu.memory_space<vmem_shared>> -> memref<80x128xf32, #tpu.memory_space<vmem_shared>>
        tpu.wait_dma2 semaphore(%run_scoped3A : memref<!tpu.dma_semaphore, #tpu.memory_space<semaphore_mem>>) src(%arg10 : memref<80x128xf32, #tpu.memory_space<vmem>>) dst(%dma_wait3A_117 : memref<80x128xf32, #tpu.memory_space<vmem_shared>>)
        tpu.yield
      }) : () -> ()
    }
    %add3A_26 = arith.constant 0 : i32
    %add3A_27 = arith.addi %mul3A_2, %add3A_26 : i32
    %dma_wait3A = tpu.memref_slice %arg3[%add3A_27] : memref<640000xi32, #tpu.memory_space<hbm>> -> memref<80xi32, #tpu.memory_space<hbm>>
    %dma_wait3A_28 = tpu.memref_slice %arg3[%add3A_27] : memref<640000xi32, #tpu.memory_space<hbm>> -> memref<80xi32, #tpu.memory_space<hbm>>
    tpu.wait_dma2 semaphore(%arg15 : memref<!tpu.dma_semaphore, #tpu.memory_space<semaphore_mem>>) src(%dma_wait3A_28 : memref<80xi32, #tpu.memory_space<hbm>>) dst(%arg6 : memref<80xi32, #tpu.memory_space<vmem>>)
    %dma_start3A_29 = arith.constant 0 : i32
    %dma_start3A_30 = arith.constant 0 : i32
    %dma_start3A_31 = tpu.memref_slice %arg2[%dma_start3A_29, %dma_start3A_30] : memref<10000x128xf32, #tpu.memory_space<hbm>> -> memref<10000x128xf32, #tpu.memory_space<hbm>>
    tpu.enqueue_indirect_dma source(%dma_start3A_31 : memref<10000x128xf32, #tpu.memory_space<hbm>>) target(%arg10 : memref<80x128xf32, #tpu.memory_space<vmem>>) offsets(%arg6 : memref<80xi32, #tpu.memory_space<vmem>>) semaphore(%arg17 : memref<!tpu.dma_semaphore, #tpu.memory_space<semaphore_mem>>)
    %add3A_32 = arith.constant 320000 : i32
    %add3A_33 = arith.addi %add3A_32, %mul3A_2 : i32
    %add3A_34 = arith.constant 0 : i32
    %add3A_35 = arith.addi %add3A_33, %add3A_34 : i32
    %dma_start3A_36 = tpu.memref_slice %arg3[%add3A_35] : memref<640000xi32, #tpu.memory_space<hbm>> -> memref<80xi32, #tpu.memory_space<hbm>>
    %dma_start3A_37 = tpu.memref_slice %arg3[%add3A_35] : memref<640000xi32, #tpu.memory_space<hbm>> -> memref<80xi32, #tpu.memory_space<hbm>>
    tpu.enqueue_dma source(%dma_start3A_37 : memref<80xi32, #tpu.memory_space<hbm>>) target(%arg8 : memref<80xi32, #tpu.memory_space<vmem>>) target_semaphore(%arg19 : memref<!tpu.dma_semaphore, #tpu.memory_space<semaphore_mem>>)
    %mul3A_38 = arith.constant 125 : i32
    %mul3A_39 = arith.muli %add3A, %mul3A_38 : i32
    %add3A_40 = arith.constant 0 : i32
    %add3A_41 = arith.addi %mul3A_39, %add3A_40 : i32
    %mul3A_42 = arith.constant 40 : i32
    %mul3A_43 = arith.muli %add3A_41, %mul3A_42 : i32
    %dma_start3A_44 = arith.constant 0 : i32
    %dma_start3A_45 = tpu.memref_slice %arg4[%mul3A_43, %dma_start3A_44] : memref<160000x128xi32, #tpu.memory_space<hbm>> -> memref<40x128xi32, #tpu.memory_space<hbm>>
    %dma_start3A_46 = arith.constant 0 : i32
    %dma_start3A_47 = tpu.memref_slice %arg4[%mul3A_43, %dma_start3A_46] : memref<160000x128xi32, #tpu.memory_space<hbm>> -> memref<40x128xi32, #tpu.memory_space<hbm>>
    tpu.enqueue_dma source(%dma_start3A_47 : memref<40x128xi32, #tpu.memory_space<hbm>>) target(%arg12 : memref<40x128xi32, #tpu.memory_space<vmem>>) target_semaphore(%arg21 : memref<!tpu.dma_semaphore, #tpu.memory_space<semaphore_mem>>)
    %barrier3A = arith.constant 0 : index
    tpu.barrier barrier_id(%barrier3A)
    %scan3A_48 = arith.constant 0 : i32
    %scan3A_49 = arith.constant 0 : i32
    %scan3A_50 = arith.constant 62 : i32
    %scan3A_51 = arith.addi %scan3A_49, %scan3A_50 : i32
    %scan3A_52 = arith.constant 1 : i32
    scf.for %scan3A_104 = %scan3A_49 to %scan3A_51 step %scan3A_52  : i32 {
      %mul3A_105 = arith.constant 2 : i32
      %mul3A_106 = arith.muli %mul3A_105, %scan3A_104 : i32
      %add3A_107 = arith.constant 1 : i32
      %add3A_108 = arith.addi %mul3A_106, %add3A_107 : i32
      %dma_wait3A_109 = arith.constant 0 : i32
      %dma_wait3A_110 = arith.constant 0 : i32
      %dma_wait3A_111 = tpu.memref_slice %arg2[%dma_wait3A_109, %dma_wait3A_110] : memref<10000x128xf32, #tpu.memory_space<hbm>> -> memref<10000x128xf32, #tpu.memory_space<hbm>>
      tpu.wait_indirect_dma semaphore(%arg17 : memref<!tpu.dma_semaphore, #tpu.memory_space<semaphore_mem>>) src(%dma_wait3A_111 : memref<10000x128xf32, #tpu.memory_space<hbm>>) dst(%arg10 : memref<80x128xf32, #tpu.memory_space<vmem>>)
      %add3A_112 = arith.constant 320000 : i32
      %add3A_113 = arith.addi %add3A_112, %mul3A_2 : i32
      %mul3A_114 = arith.constant 80 : i32
      %mul3A_115 = arith.muli %mul3A_106, %mul3A_114 : i32
      %add3A_116 = arith.addi %add3A_113, %mul3A_115 : i32
      %dma_wait3A_117 = tpu.memref_slice %arg3[%add3A_116] : memref<640000xi32, #tpu.memory_space<hbm>> -> memref<80xi32, #tpu.memory_space<hbm>>
      %dma_wait3A_118 = tpu.memref_slice %arg3[%add3A_116] : memref<640000xi32, #tpu.memory_space<hbm>> -> memref<80xi32, #tpu.memory_space<hbm>>
      tpu.wait_dma2 semaphore(%arg19 : memref<!tpu.dma_semaphore, #tpu.memory_space<semaphore_mem>>) src(%dma_wait3A_118 : memref<80xi32, #tpu.memory_space<hbm>>) dst(%arg8 : memref<80xi32, #tpu.memory_space<vmem>>)
      %mul3A_119 = arith.constant 125 : i32
      %mul3A_120 = arith.muli %add3A, %mul3A_119 : i32
      %add3A_121 = arith.addi %mul3A_120, %mul3A_106 : i32
      %mul3A_122 = arith.constant 40 : i32
      %mul3A_123 = arith.muli %add3A_121, %mul3A_122 : i32
      %dma_wait3A_124 = arith.constant 0 : i32
      %dma_wait3A_125 = tpu.memref_slice %arg4[%mul3A_123, %dma_wait3A_124] : memref<160000x128xi32, #tpu.memory_space<hbm>> -> memref<40x128xi32, #tpu.memory_space<hbm>>
      %dma_wait3A_126 = arith.constant 0 : i32
      %dma_wait3A_127 = tpu.memref_slice %arg4[%mul3A_123, %dma_wait3A_126] : memref<160000x128xi32, #tpu.memory_space<hbm>> -> memref<40x128xi32, #tpu.memory_space<hbm>>
      tpu.wait_dma2 semaphore(%arg21 : memref<!tpu.dma_semaphore, #tpu.memory_space<semaphore_mem>>) src(%dma_wait3A_127 : memref<40x128xi32, #tpu.memory_space<hbm>>) dst(%arg12 : memref<40x128xi32, #tpu.memory_space<vmem>>)
      %add3A_128 = arith.constant 2 : i32
      %add3A_129 = arith.addi %mul3A_106, %add3A_128 : i32
      %mul3A_130 = arith.constant 80 : i32
      %mul3A_131 = arith.muli %add3A_129, %mul3A_130 : i32
      %add3A_132 = arith.addi %mul3A_2, %mul3A_131 : i32
      %dma_start3A_133 = tpu.memref_slice %arg3[%add3A_132] : memref<640000xi32, #tpu.memory_space<hbm>> -> memref<80xi32, #tpu.memory_space<hbm>>
      %dma_start3A_134 = tpu.memref_slice %arg3[%add3A_132] : memref<640000xi32, #tpu.memory_space<hbm>> -> memref<80xi32, #tpu.memory_space<hbm>>
      tpu.enqueue_dma source(%dma_start3A_134 : memref<80xi32, #tpu.memory_space<hbm>>) target(%arg6 : memref<80xi32, #tpu.memory_space<vmem>>) target_semaphore(%arg15 : memref<!tpu.dma_semaphore, #tpu.memory_space<semaphore_mem>>)
      %gt3A = arith.constant 0 : i32
      %gt3A_135 = arith.cmpi sgt, %scan3A_104, %gt3A : i32
      %convert_element_type3A = arith.extui %gt3A_135 : i1 to i32
      %cond3A = arith.constant 0 : i32
      %cond3A_136 = arith.cmpi ne, %convert_element_type3A, %cond3A : i32
      scf.if %cond3A_136 {
        %dma_wait3A_233 = arith.constant 0 : i32
        %dma_wait3A_234 = arith.constant 0 : i32
        %dma_wait3A_235 = tpu.memref_slice %arg14[%dma_wait3A_233, %dma_wait3A_234] : memref<10000x128xf32, #tpu.memory_space<vmem_shared>> -> memref<10000x128xf32, #tpu.memory_space<vmem_shared>>
        tpu.wait_indirect_dma semaphore(%arg24 : memref<!tpu.dma_semaphore, #tpu.memory_space<semaphore_mem>>) src(%arg11 : memref<80x128xf32, #tpu.memory_space<vmem>>) dst(%dma_wait3A_235 : memref<10000x128xf32, #tpu.memory_space<vmem_shared>>)
      } else {
      }
      %mul3A_137 = arith.constant 80 : i32
      %mul3A_138 = arith.muli %add3A_108, %mul3A_137 : i32
      %add3A_139 = arith.addi %mul3A_2, %mul3A_138 : i32
      %dma_wait3A_140 = tpu.memref_slice %arg3[%add3A_139] : memref<640000xi32, #tpu.memory_space<hbm>> -> memref<80xi32, #tpu.memory_space<hbm>>
      %dma_wait3A_141 = tpu.memref_slice %arg3[%add3A_139] : memref<640000xi32, #tpu.memory_space<hbm>> -> memref<80xi32, #tpu.memory_space<hbm>>
      tpu.wait_dma2 semaphore(%arg16 : memref<!tpu.dma_semaphore, #tpu.memory_space<semaphore_mem>>) src(%dma_wait3A_141 : memref<80xi32, #tpu.memory_space<hbm>>) dst(%arg7 : memref<80xi32, #tpu.memory_space<vmem>>)
      %dma_start3A_142 = arith.constant 0 : i32
      %dma_start3A_143 = arith.constant 0 : i32
      %dma_start3A_144 = tpu.memref_slice %arg2[%dma_start3A_142, %dma_start3A_143] : memref<10000x128xf32, #tpu.memory_space<hbm>> -> memref<10000x128xf32, #tpu.memory_space<hbm>>
      tpu.enqueue_indirect_dma source(%dma_start3A_144 : memref<10000x128xf32, #tpu.memory_space<hbm>>) target(%arg11 : memref<80x128xf32, #tpu.memory_space<vmem>>) offsets(%arg7 : memref<80xi32, #tpu.memory_space<vmem>>) semaphore(%arg18 : memref<!tpu.dma_semaphore, #tpu.memory_space<semaphore_mem>>)
      %add3A_145 = arith.constant 320000 : i32
      %add3A_146 = arith.addi %add3A_145, %mul3A_2 : i32
      %mul3A_147 = arith.constant 80 : i32
      %mul3A_148 = arith.muli %add3A_108, %mul3A_147 : i32
      %add3A_149 = arith.addi %add3A_146, %mul3A_148 : i32
      %dma_start3A_150 = tpu.memref_slice %arg3[%add3A_149] : memref<640000xi32, #tpu.memory_space<hbm>> -> memref<80xi32, #tpu.memory_space<hbm>>
      %dma_start3A_151 = tpu.memref_slice %arg3[%add3A_149] : memref<640000xi32, #tpu.memory_space<hbm>> -> memref<80xi32, #tpu.memory_space<hbm>>
      tpu.enqueue_dma source(%dma_start3A_151 : memref<80xi32, #tpu.memory_space<hbm>>) target(%arg9 : memref<80xi32, #tpu.memory_space<vmem>>) target_semaphore(%arg20 : memref<!tpu.dma_semaphore, #tpu.memory_space<semaphore_mem>>)
      %mul3A_152 = arith.constant 125 : i32
      %mul3A_153 = arith.muli %add3A, %mul3A_152 : i32
      %add3A_154 = arith.addi %mul3A_153, %add3A_108 : i32
      %mul3A_155 = arith.constant 40 : i32
      %mul3A_156 = arith.muli %add3A_154, %mul3A_155 : i32
      %dma_start3A_157 = arith.constant 0 : i32
      %dma_start3A_158 = tpu.memref_slice %arg4[%mul3A_156, %dma_start3A_157] : memref<160000x128xi32, #tpu.memory_space<hbm>> -> memref<40x128xi32, #tpu.memory_space<hbm>>
      %dma_start3A_159 = arith.constant 0 : i32
      %dma_start3A_160 = tpu.memref_slice %arg4[%mul3A_156, %dma_start3A_159] : memref<160000x128xi32, #tpu.memory_space<hbm>> -> memref<40x128xi32, #tpu.memory_space<hbm>>
      tpu.enqueue_dma source(%dma_start3A_160 : memref<40x128xi32, #tpu.memory_space<hbm>>) target(%arg13 : memref<40x128xi32, #tpu.memory_space<vmem>>) target_semaphore(%arg22 : memref<!tpu.dma_semaphore, #tpu.memory_space<semaphore_mem>>)
      %scan3A_161 = arith.constant 0 : i32
      %scan3A_162 = arith.constant 0 : i32
      %scan3A_163 = arith.constant 40 : i32
      %scan3A_164 = arith.addi %scan3A_162, %scan3A_163 : i32
      %scan3A_165 = arith.constant 1 : i32
      scf.for %scan3A_233 = %scan3A_162 to %scan3A_164 step %scan3A_165  : i32 {
        %add3A_234 = arith.constant 0 : i32
        %add3A_235 = arith.addi %scan3A_233, %add3A_234 : i32
        %get3A = arith.index_cast %scan3A_233 : i32 to index
        %get3A_236 = arith.constant 0 : index
        %get3A_237 = tpu.vector_load %arg12[%get3A, %get3A_236] {strides = array<i32>} : memref<40x128xi32, #tpu.memory_space<vmem>>, vector<1x16xi32>,
        %get3A_238 = vector.shape_cast %get3A_237 : vector<1x16xi32> to vector<16xi32>
        %shift_left3A = arith.constant 16 : i32
        %shift_left3A_239 = vector.broadcast %shift_left3A : i32 to vector<16xi32>
        %shift_left3A_240 = arith.shli %get3A_238, %shift_left3A_239 : vector<16xi32>
        %bitcast_convert_type3A = tpu.bitcast %shift_left3A_240 : vector<16xi32> -> vector<16xf32>
        %and3A = arith.constant -65536 : i32
        %and3A_241 = vector.broadcast %and3A : i32 to vector<16xi32>
        %and3A_242 = arith.andi %get3A_238, %and3A_241 : vector<16xi32>
        %bitcast_convert_type3A_243 = tpu.bitcast %and3A_242 : vector<16xi32> -> vector<16xf32>
        %get3A_244 = arith.index_cast %add3A_235 : i32 to index
        %get3A_245 = arith.constant 0 : index
        %get3A_246 = tpu.vector_load %arg10[%get3A_244, %get3A_245] {strides = array<i32>} : memref<80x128xf32, #tpu.memory_space<vmem>>, vector<1x16xf32>,
        %get3A_247 = vector.shape_cast %get3A_246 : vector<1x16xf32> to vector<16xf32>
        %add3A_248 = arith.addf %get3A_247, %bitcast_convert_type3A : vector<16xf32>
        %max3A = arith.constant 0.000000e+00 : f32
        %max3A_249 = vector.broadcast %max3A : f32 to vector<16xf32>
        %max3A_250 = arith.maximumf %add3A_248, %max3A_249 : vector<16xf32>
        %swap3A = arith.index_cast %add3A_235 : i32 to index
        %swap3A_251 = arith.constant 0 : index
        %swap3A_252 = tpu.vector_load %arg10[%swap3A, %swap3A_251] {strides = array<i32>} : memref<80x128xf32, #tpu.memory_space<vmem>>, vector<1x16xf32>,
        %swap3A_253 = vector.shape_cast %swap3A_252 : vector<1x16xf32> to vector<16xf32>
        %swap3A_254 = vector.shape_cast %max3A_250 : vector<16xf32> to vector<1x16xf32>
        tpu.vector_store %arg10[%swap3A, %swap3A_251], %swap3A_254 {strides = array<i32>} : memref<80x128xf32, #tpu.memory_space<vmem>>, vector<1x16xf32>,
        %get3A_255 = arith.index_cast %add3A_235 : i32 to index
        %get3A_256 = arith.constant 64 : index
        %get3A_257 = tpu.vector_load %arg10[%get3A_255, %get3A_256] {strides = array<i32>} : memref<80x128xf32, #tpu.memory_space<vmem>>, vector<1x16xf32>,
        %get3A_258 = vector.shape_cast %get3A_257 : vector<1x16xf32> to vector<16xf32>
        %add3A_259 = arith.addf %get3A_258, %bitcast_convert_type3A_243 : vector<16xf32>
        %max3A_260 = arith.constant 0.000000e+00 : f32
        %max3A_261 = vector.broadcast %max3A_260 : f32 to vector<16xf32>
        %max3A_262 = arith.maximumf %add3A_259, %max3A_261 : vector<16xf32>
        %swap3A_263 = arith.index_cast %add3A_235 : i32 to index
        %swap3A_264 = arith.constant 64 : index
        %swap3A_265 = tpu.vector_load %arg10[%swap3A_263, %swap3A_264] {strides = array<i32>} : memref<80x128xf32, #tpu.memory_space<vmem>>, vector<1x16xf32>,
        %swap3A_266 = vector.shape_cast %swap3A_265 : vector<1x16xf32> to vector<16xf32>
        %swap3A_267 = vector.shape_cast %max3A_262 : vector<16xf32> to vector<1x16xf32>
        tpu.vector_store %arg10[%swap3A_263, %swap3A_264], %swap3A_267 {strides = array<i32>} : memref<80x128xf32, #tpu.memory_space<vmem>>, vector<1x16xf32>,
        %get3A_268 = arith.index_cast %scan3A_233 : i32 to index
        %get3A_269 = arith.constant 16 : index
        %get3A_270 = tpu.vector_load %arg12[%get3A_268, %get3A_269] {strides = array<i32>} : memref<40x128xi32, #tpu.memory_space<vmem>>, vector<1x16xi32>,
        %get3A_271 = vector.shape_cast %get3A_270 : vector<1x16xi32> to vector<16xi32>
        %shift_left3A_272 = arith.constant 16 : i32
        %shift_left3A_273 = vector.broadcast %shift_left3A_272 : i32 to vector<16xi32>
        %shift_left3A_274 = arith.shli %get3A_271, %shift_left3A_273 : vector<16xi32>
        %bitcast_convert_type3A_275 = tpu.bitcast %shift_left3A_274 : vector<16xi32> -> vector<16xf32>
        %and3A_276 = arith.constant -65536 : i32
        %and3A_277 = vector.broadcast %and3A_276 : i32 to vector<16xi32>
        %and3A_278 = arith.andi %get3A_271, %and3A_277 : vector<16xi32>
        %bitcast_convert_type3A_279 = tpu.bitcast %and3A_278 : vector<16xi32> -> vector<16xf32>
        %get3A_280 = arith.index_cast %add3A_235 : i32 to index
        %get3A_281 = arith.constant 16 : index
        %get3A_282 = tpu.vector_load %arg10[%get3A_280, %get3A_281] {strides = array<i32>} : memref<80x128xf32, #tpu.memory_space<vmem>>, vector<1x16xf32>,
        %get3A_283 = vector.shape_cast %get3A_282 : vector<1x16xf32> to vector<16xf32>
        %add3A_284 = arith.addf %get3A_283, %bitcast_convert_type3A_275 : vector<16xf32>
        %max3A_285 = arith.constant 0.000000e+00 : f32
        %max3A_286 = vector.broadcast %max3A_285 : f32 to vector<16xf32>
        %max3A_287 = arith.maximumf %add3A_284, %max3A_286 : vector<16xf32>
        %swap3A_288 = arith.index_cast %add3A_235 : i32 to index
        %swap3A_289 = arith.constant 16 : index
        %swap3A_290 = tpu.vector_load %arg10[%swap3A_288, %swap3A_289] {strides = array<i32>} : memref<80x128xf32, #tpu.memory_space<vmem>>, vector<1x16xf32>,
        %swap3A_291 = vector.shape_cast %swap3A_290 : vector<1x16xf32> to vector<16xf32>
        %swap3A_292 = vector.shape_cast %max3A_287 : vector<16xf32> to vector<1x16xf32>
        tpu.vector_store %arg10[%swap3A_288, %swap3A_289], %swap3A_292 {strides = array<i32>} : memref<80x128xf32, #tpu.memory_space<vmem>>, vector<1x16xf32>,
        %get3A_293 = arith.index_cast %add3A_235 : i32 to index
        %get3A_294 = arith.constant 80 : index
        %get3A_295 = tpu.vector_load %arg10[%get3A_293, %get3A_294] {strides = array<i32>} : memref<80x128xf32, #tpu.memory_space<vmem>>, vector<1x16xf32>,
        %get3A_296 = vector.shape_cast %get3A_295 : vector<1x16xf32> to vector<16xf32>
        %add3A_297 = arith.addf %get3A_296, %bitcast_convert_type3A_279 : vector<16xf32>
        %max3A_298 = arith.constant 0.000000e+00 : f32
        %max3A_299 = vector.broadcast %max3A_298 : f32 to vector<16xf32>
        %max3A_300 = arith.maximumf %add3A_297, %max3A_299 : vector<16xf32>
        %swap3A_301 = arith.index_cast %add3A_235 : i32 to index
        %swap3A_302 = arith.constant 80 : index
        %swap3A_303 = tpu.vector_load %arg10[%swap3A_301, %swap3A_302] {strides = array<i32>} : memref<80x128xf32, #tpu.memory_space<vmem>>, vector<1x16xf32>,
        %swap3A_304 = vector.shape_cast %swap3A_303 : vector<1x16xf32> to vector<16xf32>
        %swap3A_305 = vector.shape_cast %max3A_300 : vector<16xf32> to vector<1x16xf32>
        tpu.vector_store %arg10[%swap3A_301, %swap3A_302], %swap3A_305 {strides = array<i32>} : memref<80x128xf32, #tpu.memory_space<vmem>>, vector<1x16xf32>,
        %get3A_306 = arith.index_cast %scan3A_233 : i32 to index
        %get3A_307 = arith.constant 32 : index
        %get3A_308 = tpu.vector_load %arg12[%get3A_306, %get3A_307] {strides = array<i32>} : memref<40x128xi32, #tpu.memory_space<vmem>>, vector<1x16xi32>,
        %get3A_309 = vector.shape_cast %get3A_308 : vector<1x16xi32> to vector<16xi32>
        %shift_left3A_310 = arith.constant 16 : i32
        %shift_left3A_311 = vector.broadcast %shift_left3A_310 : i32 to vector<16xi32>
        %shift_left3A_312 = arith.shli %get3A_309, %shift_left3A_311 : vector<16xi32>
        %bitcast_convert_type3A_313 = tpu.bitcast %shift_left3A_312 : vector<16xi32> -> vector<16xf32>
        %and3A_314 = arith.constant -65536 : i32
        %and3A_315 = vector.broadcast %and3A_314 : i32 to vector<16xi32>
        %and3A_316 = arith.andi %get3A_309, %and3A_315 : vector<16xi32>
        %bitcast_convert_type3A_317 = tpu.bitcast %and3A_316 : vector<16xi32> -> vector<16xf32>
        %get3A_318 = arith.index_cast %add3A_235 : i32 to index
        %get3A_319 = arith.constant 32 : index
        %get3A_320 = tpu.vector_load %arg10[%get3A_318, %get3A_319] {strides = array<i32>} : memref<80x128xf32, #tpu.memory_space<vmem>>, vector<1x16xf32>,
        %get3A_321 = vector.shape_cast %get3A_320 : vector<1x16xf32> to vector<16xf32>
        %add3A_322 = arith.addf %get3A_321, %bitcast_convert_type3A_313 : vector<16xf32>
        %max3A_323 = arith.constant 0.000000e+00 : f32
        %max3A_324 = vector.broadcast %max3A_323 : f32 to vector<16xf32>
        %max3A_325 = arith.maximumf %add3A_322, %max3A_324 : vector<16xf32>
        %swap3A_326 = arith.index_cast %add3A_235 : i32 to index
        %swap3A_327 = arith.constant 32 : index
        %swap3A_328 = tpu.vector_load %arg10[%swap3A_326, %swap3A_327] {strides = array<i32>} : memref<80x128xf32, #tpu.memory_space<vmem>>, vector<1x16xf32>,
        %swap3A_329 = vector.shape_cast %swap3A_328 : vector<1x16xf32> to vector<16xf32>
        %swap3A_330 = vector.shape_cast %max3A_325 : vector<16xf32> to vector<1x16xf32>
        tpu.vector_store %arg10[%swap3A_326, %swap3A_327], %swap3A_330 {strides = array<i32>} : memref<80x128xf32, #tpu.memory_space<vmem>>, vector<1x16xf32>,
        %get3A_331 = arith.index_cast %add3A_235 : i32 to index
        %get3A_332 = arith.constant 96 : index
        %get3A_333 = tpu.vector_load %arg10[%get3A_331, %get3A_332] {strides = array<i32>} : memref<80x128xf32, #tpu.memory_space<vmem>>, vector<1x16xf32>,
        %get3A_334 = vector.shape_cast %get3A_333 : vector<1x16xf32> to vector<16xf32>
        %add3A_335 = arith.addf %get3A_334, %bitcast_convert_type3A_317 : vector<16xf32>
        %max3A_336 = arith.constant 0.000000e+00 : f32
        %max3A_337 = vector.broadcast %max3A_336 : f32 to vector<16xf32>
        %max3A_338 = arith.maximumf %add3A_335, %max3A_337 : vector<16xf32>
        %swap3A_339 = arith.index_cast %add3A_235 : i32 to index
        %swap3A_340 = arith.constant 96 : index
        %swap3A_341 = tpu.vector_load %arg10[%swap3A_339, %swap3A_340] {strides = array<i32>} : memref<80x128xf32, #tpu.memory_space<vmem>>, vector<1x16xf32>,
        %swap3A_342 = vector.shape_cast %swap3A_341 : vector<1x16xf32> to vector<16xf32>
        %swap3A_343 = vector.shape_cast %max3A_338 : vector<16xf32> to vector<1x16xf32>
        tpu.vector_store %arg10[%swap3A_339, %swap3A_340], %swap3A_343 {strides = array<i32>} : memref<80x128xf32, #tpu.memory_space<vmem>>, vector<1x16xf32>,
        %get3A_344 = arith.index_cast %scan3A_233 : i32 to index
        %get3A_345 = arith.constant 48 : index
        %get3A_346 = tpu.vector_load %arg12[%get3A_344, %get3A_345] {strides = array<i32>} : memref<40x128xi32, #tpu.memory_space<vmem>>, vector<1x16xi32>,
        %get3A_347 = vector.shape_cast %get3A_346 : vector<1x16xi32> to vector<16xi32>
        %shift_left3A_348 = arith.constant 16 : i32
        %shift_left3A_349 = vector.broadcast %shift_left3A_348 : i32 to vector<16xi32>
        %shift_left3A_350 = arith.shli %get3A_347, %shift_left3A_349 : vector<16xi32>
        %bitcast_convert_type3A_351 = tpu.bitcast %shift_left3A_350 : vector<16xi32> -> vector<16xf32>
        %and3A_352 = arith.constant -65536 : i32
        %and3A_353 = vector.broadcast %and3A_352 : i32 to vector<16xi32>
        %and3A_354 = arith.andi %get3A_347, %and3A_353 : vector<16xi32>
        %bitcast_convert_type3A_355 = tpu.bitcast %and3A_354 : vector<16xi32> -> vector<16xf32>
        %get3A_356 = arith.index_cast %add3A_235 : i32 to index
        %get3A_357 = arith.constant 48 : index
        %get3A_358 = tpu.vector_load %arg10[%get3A_356, %get3A_357] {strides = array<i32>} : memref<80x128xf32, #tpu.memory_space<vmem>>, vector<1x16xf32>,
        %get3A_359 = vector.shape_cast %get3A_358 : vector<1x16xf32> to vector<16xf32>
        %add3A_360 = arith.addf %get3A_359, %bitcast_convert_type3A_351 : vector<16xf32>
        %max3A_361 = arith.constant 0.000000e+00 : f32
        %max3A_362 = vector.broadcast %max3A_361 : f32 to vector<16xf32>
        %max3A_363 = arith.maximumf %add3A_360, %max3A_362 : vector<16xf32>
        %swap3A_364 = arith.index_cast %add3A_235 : i32 to index
        %swap3A_365 = arith.constant 48 : index
        %swap3A_366 = tpu.vector_load %arg10[%swap3A_364, %swap3A_365] {strides = array<i32>} : memref<80x128xf32, #tpu.memory_space<vmem>>, vector<1x16xf32>,
        %swap3A_367 = vector.shape_cast %swap3A_366 : vector<1x16xf32> to vector<16xf32>
        %swap3A_368 = vector.shape_cast %max3A_363 : vector<16xf32> to vector<1x16xf32>
        tpu.vector_store %arg10[%swap3A_364, %swap3A_365], %swap3A_368 {strides = array<i32>} : memref<80x128xf32, #tpu.memory_space<vmem>>, vector<1x16xf32>,
        %get3A_369 = arith.index_cast %add3A_235 : i32 to index
        %get3A_370 = arith.constant 112 : index
        %get3A_371 = tpu.vector_load %arg10[%get3A_369, %get3A_370] {strides = array<i32>} : memref<80x128xf32, #tpu.memory_space<vmem>>, vector<1x16xf32>,
        %get3A_372 = vector.shape_cast %get3A_371 : vector<1x16xf32> to vector<16xf32>
        %add3A_373 = arith.addf %get3A_372, %bitcast_convert_type3A_355 : vector<16xf32>
        %max3A_374 = arith.constant 0.000000e+00 : f32
        %max3A_375 = vector.broadcast %max3A_374 : f32 to vector<16xf32>
        %max3A_376 = arith.maximumf %add3A_373, %max3A_375 : vector<16xf32>
        %swap3A_377 = arith.index_cast %add3A_235 : i32 to index
        %swap3A_378 = arith.constant 112 : index
        %swap3A_379 = tpu.vector_load %arg10[%swap3A_377, %swap3A_378] {strides = array<i32>} : memref<80x128xf32, #tpu.memory_space<vmem>>, vector<1x16xf32>,
        %swap3A_380 = vector.shape_cast %swap3A_379 : vector<1x16xf32> to vector<16xf32>
        %swap3A_381 = vector.shape_cast %max3A_376 : vector<16xf32> to vector<1x16xf32>
        tpu.vector_store %arg10[%swap3A_377, %swap3A_378], %swap3A_381 {strides = array<i32>} : memref<80x128xf32, #tpu.memory_space<vmem>>, vector<1x16xf32>,
        %add3A_382 = arith.constant 40 : i32
        %add3A_383 = arith.addi %scan3A_233, %add3A_382 : i32
        %get3A_384 = arith.index_cast %scan3A_233 : i32 to index
        %get3A_385 = arith.constant 64 : index
        %get3A_386 = tpu.vector_load %arg12[%get3A_384, %get3A_385] {strides = array<i32>} : memref<40x128xi32, #tpu.memory_space<vmem>>, vector<1x16xi32>,
        %get3A_387 = vector.shape_cast %get3A_386 : vector<1x16xi32> to vector<16xi32>
        %shift_left3A_388 = arith.constant 16 : i32
        %shift_left3A_389 = vector.broadcast %shift_left3A_388 : i32 to vector<16xi32>
        %shift_left3A_390 = arith.shli %get3A_387, %shift_left3A_389 : vector<16xi32>
        %bitcast_convert_type3A_391 = tpu.bitcast %shift_left3A_390 : vector<16xi32> -> vector<16xf32>
        %and3A_392 = arith.constant -65536 : i32
        %and3A_393 = vector.broadcast %and3A_392 : i32 to vector<16xi32>
        %and3A_394 = arith.andi %get3A_387, %and3A_393 : vector<16xi32>
        %bitcast_convert_type3A_395 = tpu.bitcast %and3A_394 : vector<16xi32> -> vector<16xf32>
        %get3A_396 = arith.index_cast %add3A_383 : i32 to index
        %get3A_397 = arith.constant 0 : index
        %get3A_398 = tpu.vector_load %arg10[%get3A_396, %get3A_397] {strides = array<i32>} : memref<80x128xf32, #tpu.memory_space<vmem>>, vector<1x16xf32>,
        %get3A_399 = vector.shape_cast %get3A_398 : vector<1x16xf32> to vector<16xf32>
        %add3A_400 = arith.addf %get3A_399, %bitcast_convert_type3A_391 : vector<16xf32>
        %max3A_401 = arith.constant 0.000000e+00 : f32
        %max3A_402 = vector.broadcast %max3A_401 : f32 to vector<16xf32>
        %max3A_403 = arith.maximumf %add3A_400, %max3A_402 : vector<16xf32>
        %swap3A_404 = arith.index_cast %add3A_383 : i32 to index
        %swap3A_405 = arith.constant 0 : index
        %swap3A_406 = tpu.vector_load %arg10[%swap3A_404, %swap3A_405] {strides = array<i32>} : memref<80x128xf32, #tpu.memory_space<vmem>>, vector<1x16xf32>,
        %swap3A_407 = vector.shape_cast %swap3A_406 : vector<1x16xf32> to vector<16xf32>
        %swap3A_408 = vector.shape_cast %max3A_403 : vector<16xf32> to vector<1x16xf32>
        tpu.vector_store %arg10[%swap3A_404, %swap3A_405], %swap3A_408 {strides = array<i32>} : memref<80x128xf32, #tpu.memory_space<vmem>>, vector<1x16xf32>,
        %get3A_409 = arith.index_cast %add3A_383 : i32 to index
        %get3A_410 = arith.constant 64 : index
        %get3A_411 = tpu.vector_load %arg10[%get3A_409, %get3A_410] {strides = array<i32>} : memref<80x128xf32, #tpu.memory_space<vmem>>, vector<1x16xf32>,
        %get3A_412 = vector.shape_cast %get3A_411 : vector<1x16xf32> to vector<16xf32>
        %add3A_413 = arith.addf %get3A_412, %bitcast_convert_type3A_395 : vector<16xf32>
        %max3A_414 = arith.constant 0.000000e+00 : f32
        %max3A_415 = vector.broadcast %max3A_414 : f32 to vector<16xf32>
        %max3A_416 = arith.maximumf %add3A_413, %max3A_415 : vector<16xf32>
        %swap3A_417 = arith.index_cast %add3A_383 : i32 to index
        %swap3A_418 = arith.constant 64 : index
        %swap3A_419 = tpu.vector_load %arg10[%swap3A_417, %swap3A_418] {strides = array<i32>} : memref<80x128xf32, #tpu.memory_space<vmem>>, vector<1x16xf32>,
        %swap3A_420 = vector.shape_cast %swap3A_419 : vector<1x16xf32> to vector<16xf32>
        %swap3A_421 = vector.shape_cast %max3A_416 : vector<16xf32> to vector<1x16xf32>
        tpu.vector_store %arg10[%swap3A_417, %swap3A_418], %swap3A_421 {strides = array<i32>} : memref<80x128xf32, #tpu.memory_space<vmem>>, vector<1x16xf32>,
        %get3A_422 = arith.index_cast %scan3A_233 : i32 to index
        %get3A_423 = arith.constant 80 : index
        %get3A_424 = tpu.vector_load %arg12[%get3A_422, %get3A_423] {strides = array<i32>} : memref<40x128xi32, #tpu.memory_space<vmem>>, vector<1x16xi32>,
        %get3A_425 = vector.shape_cast %get3A_424 : vector<1x16xi32> to vector<16xi32>
        %shift_left3A_426 = arith.constant 16 : i32
        %shift_left3A_427 = vector.broadcast %shift_left3A_426 : i32 to vector<16xi32>
        %shift_left3A_428 = arith.shli %get3A_425, %shift_left3A_427 : vector<16xi32>
        %bitcast_convert_type3A_429 = tpu.bitcast %shift_left3A_428 : vector<16xi32> -> vector<16xf32>
        %and3A_430 = arith.constant -65536 : i32
        %and3A_431 = vector.broadcast %and3A_430 : i32 to vector<16xi32>
        %and3A_432 = arith.andi %get3A_425, %and3A_431 : vector<16xi32>
        %bitcast_convert_type3A_433 = tpu.bitcast %and3A_432 : vector<16xi32> -> vector<16xf32>
        %get3A_434 = arith.index_cast %add3A_383 : i32 to index
        %get3A_435 = arith.constant 16 : index
        %get3A_436 = tpu.vector_load %arg10[%get3A_434, %get3A_435] {strides = array<i32>} : memref<80x128xf32, #tpu.memory_space<vmem>>, vector<1x16xf32>,
        %get3A_437 = vector.shape_cast %get3A_436 : vector<1x16xf32> to vector<16xf32>
        %add3A_438 = arith.addf %get3A_437, %bitcast_convert_type3A_429 : vector<16xf32>
        %max3A_439 = arith.constant 0.000000e+00 : f32
        %max3A_440 = vector.broadcast %max3A_439 : f32 to vector<16xf32>
        %max3A_441 = arith.maximumf %add3A_438, %max3A_440 : vector<16xf32>
        %swap3A_442 = arith.index_cast %add3A_383 : i32 to index
        %swap3A_443 = arith.constant 16 : index
        %swap3A_444 = tpu.vector_load %arg10[%swap3A_442, %swap3A_443] {strides = array<i32>} : memref<80x128xf32, #tpu.memory_space<vmem>>, vector<1x16xf32>,
        %swap3A_445 = vector.shape_cast %swap3A_444 : vector<1x16xf32> to vector<16xf32>
        %swap3A_446 = vector.shape_cast %max3A_441 : vector<16xf32> to vector<1x16xf32>
        tpu.vector_store %arg10[%swap3A_442, %swap3A_443], %swap3A_446 {strides = array<i32>} : memref<80x128xf32, #tpu.memory_space<vmem>>, vector<1x16xf32>,
        %get3A_447 = arith.index_cast %add3A_383 : i32 to index
        %get3A_448 = arith.constant 80 : index
        %get3A_449 = tpu.vector_load %arg10[%get3A_447, %get3A_448] {strides = array<i32>} : memref<80x128xf32, #tpu.memory_space<vmem>>, vector<1x16xf32>,
        %get3A_450 = vector.shape_cast %get3A_449 : vector<1x16xf32> to vector<16xf32>
        %add3A_451 = arith.addf %get3A_450, %bitcast_convert_type3A_433 : vector<16xf32>
        %max3A_452 = arith.constant 0.000000e+00 : f32
        %max3A_453 = vector.broadcast %max3A_452 : f32 to vector<16xf32>
        %max3A_454 = arith.maximumf %add3A_451, %max3A_453 : vector<16xf32>
        %swap3A_455 = arith.index_cast %add3A_383 : i32 to index
        %swap3A_456 = arith.constant 80 : index
        %swap3A_457 = tpu.vector_load %arg10[%swap3A_455, %swap3A_456] {strides = array<i32>} : memref<80x128xf32, #tpu.memory_space<vmem>>, vector<1x16xf32>,
        %swap3A_458 = vector.shape_cast %swap3A_457 : vector<1x16xf32> to vector<16xf32>
        %swap3A_459 = vector.shape_cast %max3A_454 : vector<16xf32> to vector<1x16xf32>
        tpu.vector_store %arg10[%swap3A_455, %swap3A_456], %swap3A_459 {strides = array<i32>} : memref<80x128xf32, #tpu.memory_space<vmem>>, vector<1x16xf32>,
        %get3A_460 = arith.index_cast %scan3A_233 : i32 to index
        %get3A_461 = arith.constant 96 : index
        %get3A_462 = tpu.vector_load %arg12[%get3A_460, %get3A_461] {strides = array<i32>} : memref<40x128xi32, #tpu.memory_space<vmem>>, vector<1x16xi32>,
        %get3A_463 = vector.shape_cast %get3A_462 : vector<1x16xi32> to vector<16xi32>
        %shift_left3A_464 = arith.constant 16 : i32
        %shift_left3A_465 = vector.broadcast %shift_left3A_464 : i32 to vector<16xi32>
        %shift_left3A_466 = arith.shli %get3A_463, %shift_left3A_465 : vector<16xi32>
        %bitcast_convert_type3A_467 = tpu.bitcast %shift_left3A_466 : vector<16xi32> -> vector<16xf32>
        %and3A_468 = arith.constant -65536 : i32
        %and3A_469 = vector.broadcast %and3A_468 : i32 to vector<16xi32>
        %and3A_470 = arith.andi %get3A_463, %and3A_469 : vector<16xi32>
        %bitcast_convert_type3A_471 = tpu.bitcast %and3A_470 : vector<16xi32> -> vector<16xf32>
        %get3A_472 = arith.index_cast %add3A_383 : i32 to index
        %get3A_473 = arith.constant 32 : index
        %get3A_474 = tpu.vector_load %arg10[%get3A_472, %get3A_473] {strides = array<i32>} : memref<80x128xf32, #tpu.memory_space<vmem>>, vector<1x16xf32>,
        %get3A_475 = vector.shape_cast %get3A_474 : vector<1x16xf32> to vector<16xf32>
        %add3A_476 = arith.addf %get3A_475, %bitcast_convert_type3A_467 : vector<16xf32>
        %max3A_477 = arith.constant 0.000000e+00 : f32
        %max3A_478 = vector.broadcast %max3A_477 : f32 to vector<16xf32>
        %max3A_479 = arith.maximumf %add3A_476, %max3A_478 : vector<16xf32>
        %swap3A_480 = arith.index_cast %add3A_383 : i32 to index
        %swap3A_481 = arith.constant 32 : index
        %swap3A_482 = tpu.vector_load %arg10[%swap3A_480, %swap3A_481] {strides = array<i32>} : memref<80x128xf32, #tpu.memory_space<vmem>>, vector<1x16xf32>,
        %swap3A_483 = vector.shape_cast %swap3A_482 : vector<1x16xf32> to vector<16xf32>
        %swap3A_484 = vector.shape_cast %max3A_479 : vector<16xf32> to vector<1x16xf32>
        tpu.vector_store %arg10[%swap3A_480, %swap3A_481], %swap3A_484 {strides = array<i32>} : memref<80x128xf32, #tpu.memory_space<vmem>>, vector<1x16xf32>,
        %get3A_485 = arith.index_cast %add3A_383 : i32 to index
        %get3A_486 = arith.constant 96 : index
        %get3A_487 = tpu.vector_load %arg10[%get3A_485, %get3A_486] {strides = array<i32>} : memref<80x128xf32, #tpu.memory_space<vmem>>, vector<1x16xf32>,
        %get3A_488 = vector.shape_cast %get3A_487 : vector<1x16xf32> to vector<16xf32>
        %add3A_489 = arith.addf %get3A_488, %bitcast_convert_type3A_471 : vector<16xf32>
        %max3A_490 = arith.constant 0.000000e+00 : f32
        %max3A_491 = vector.broadcast %max3A_490 : f32 to vector<16xf32>
        %max3A_492 = arith.maximumf %add3A_489, %max3A_491 : vector<16xf32>
        %swap3A_493 = arith.index_cast %add3A_383 : i32 to index
        %swap3A_494 = arith.constant 96 : index
        %swap3A_495 = tpu.vector_load %arg10[%swap3A_493, %swap3A_494] {strides = array<i32>} : memref<80x128xf32, #tpu.memory_space<vmem>>, vector<1x16xf32>,
        %swap3A_496 = vector.shape_cast %swap3A_495 : vector<1x16xf32> to vector<16xf32>
        %swap3A_497 = vector.shape_cast %max3A_492 : vector<16xf32> to vector<1x16xf32>
        tpu.vector_store %arg10[%swap3A_493, %swap3A_494], %swap3A_497 {strides = array<i32>} : memref<80x128xf32, #tpu.memory_space<vmem>>, vector<1x16xf32>,
        %get3A_498 = arith.index_cast %scan3A_233 : i32 to index
        %get3A_499 = arith.constant 112 : index
        %get3A_500 = tpu.vector_load %arg12[%get3A_498, %get3A_499] {strides = array<i32>} : memref<40x128xi32, #tpu.memory_space<vmem>>, vector<1x16xi32>,
        %get3A_501 = vector.shape_cast %get3A_500 : vector<1x16xi32> to vector<16xi32>
        %shift_left3A_502 = arith.constant 16 : i32
        %shift_left3A_503 = vector.broadcast %shift_left3A_502 : i32 to vector<16xi32>
        %shift_left3A_504 = arith.shli %get3A_501, %shift_left3A_503 : vector<16xi32>
        %bitcast_convert_type3A_505 = tpu.bitcast %shift_left3A_504 : vector<16xi32> -> vector<16xf32>
        %and3A_506 = arith.constant -65536 : i32
        %and3A_507 = vector.broadcast %and3A_506 : i32 to vector<16xi32>
        %and3A_508 = arith.andi %get3A_501, %and3A_507 : vector<16xi32>
        %bitcast_convert_type3A_509 = tpu.bitcast %and3A_508 : vector<16xi32> -> vector<16xf32>
        %get3A_510 = arith.index_cast %add3A_383 : i32 to index
        %get3A_511 = arith.constant 48 : index
        %get3A_512 = tpu.vector_load %arg10[%get3A_510, %get3A_511] {strides = array<i32>} : memref<80x128xf32, #tpu.memory_space<vmem>>, vector<1x16xf32>,
        %get3A_513 = vector.shape_cast %get3A_512 : vector<1x16xf32> to vector<16xf32>
        %add3A_514 = arith.addf %get3A_513, %bitcast_convert_type3A_505 : vector<16xf32>
        %max3A_515 = arith.constant 0.000000e+00 : f32
        %max3A_516 = vector.broadcast %max3A_515 : f32 to vector<16xf32>
        %max3A_517 = arith.maximumf %add3A_514, %max3A_516 : vector<16xf32>
        %swap3A_518 = arith.index_cast %add3A_383 : i32 to index
        %swap3A_519 = arith.constant 48 : index
        %swap3A_520 = tpu.vector_load %arg10[%swap3A_518, %swap3A_519] {strides = array<i32>} : memref<80x128xf32, #tpu.memory_space<vmem>>, vector<1x16xf32>,
        %swap3A_521 = vector.shape_cast %swap3A_520 : vector<1x16xf32> to vector<16xf32>
        %swap3A_522 = vector.shape_cast %max3A_517 : vector<16xf32> to vector<1x16xf32>
        tpu.vector_store %arg10[%swap3A_518, %swap3A_519], %swap3A_522 {strides = array<i32>} : memref<80x128xf32, #tpu.memory_space<vmem>>, vector<1x16xf32>,
        %get3A_523 = arith.index_cast %add3A_383 : i32 to index
        %get3A_524 = arith.constant 112 : index
        %get3A_525 = tpu.vector_load %arg10[%get3A_523, %get3A_524] {strides = array<i32>} : memref<80x128xf32, #tpu.memory_space<vmem>>, vector<1x16xf32>,
        %get3A_526 = vector.shape_cast %get3A_525 : vector<1x16xf32> to vector<16xf32>
        %add3A_527 = arith.addf %get3A_526, %bitcast_convert_type3A_509 : vector<16xf32>
        %max3A_528 = arith.constant 0.000000e+00 : f32
        %max3A_529 = vector.broadcast %max3A_528 : f32 to vector<16xf32>
        %max3A_530 = arith.maximumf %add3A_527, %max3A_529 : vector<16xf32>
        %swap3A_531 = arith.index_cast %add3A_383 : i32 to index
        %swap3A_532 = arith.constant 112 : index
        %swap3A_533 = tpu.vector_load %arg10[%swap3A_531, %swap3A_532] {strides = array<i32>} : memref<80x128xf32, #tpu.memory_space<vmem>>, vector<1x16xf32>,
        %swap3A_534 = vector.shape_cast %swap3A_533 : vector<1x16xf32> to vector<16xf32>
        %swap3A_535 = vector.shape_cast %max3A_530 : vector<16xf32> to vector<1x16xf32>
        tpu.vector_store %arg10[%swap3A_531, %swap3A_532], %swap3A_535 {strides = array<i32>} : memref<80x128xf32, #tpu.memory_space<vmem>>, vector<1x16xf32>,
      }
      %scan3A_166 = arith.constant 40 : i32
      %dma_start3A_167 = arith.constant 0 : i32
      %dma_start3A_168 = arith.constant 0 : i32
      %dma_start3A_169 = tpu.memref_slice %arg14[%dma_start3A_167, %dma_start3A_168] : memref<10000x128xf32, #tpu.memory_space<vmem_shared>> -> memref<10000x128xf32, #tpu.memory_space<vmem_shared>>
      tpu.enqueue_indirect_dma source(%arg10 : memref<80x128xf32, #tpu.memory_space<vmem>>) target(%dma_start3A_169 : memref<10000x128xf32, #tpu.memory_space<vmem_shared>>) offsets(%arg8 : memref<80xi32, #tpu.memory_space<vmem>>) semaphore(%arg23 : memref<!tpu.dma_semaphore, #tpu.memory_space<semaphore_mem>>) {add = true}
      %dma_wait3A_170 = arith.constant 0 : i32
      %dma_wait3A_171 = arith.constant 0 : i32
      %dma_wait3A_172 = tpu.memref_slice %arg2[%dma_wait3A_170, %dma_wait3A_171] : memref<10000x128xf32, #tpu.memory_space<hbm>> -> memref<10000x128xf32, #tpu.memory_space<hbm>>
      tpu.wait_indirect_dma semaphore(%arg18 : memref<!tpu.dma_semaphore, #tpu.memory_space<semaphore_mem>>) src(%dma_wait3A_172 : memref<10000x128xf32, #tpu.memory_space<hbm>>) dst(%arg11 : memref<80x128xf32, #tpu.memory_space<vmem>>)
      %add3A_173 = arith.constant 320000 : i32
      %add3A_174 = arith.addi %add3A_173, %mul3A_2 : i32
      %mul3A_175 = arith.constant 80 : i32
      %mul3A_176 = arith.muli %add3A_108, %mul3A_175 : i32
      %add3A_177 = arith.addi %add3A_174, %mul3A_176 : i32
      %dma_wait3A_178 = tpu.memref_slice %arg3[%add3A_177] : memref<640000xi32, #tpu.memory_space<hbm>> -> memref<80xi32, #tpu.memory_space<hbm>>
      %dma_wait3A_179 = tpu.memref_slice %arg3[%add3A_177] : memref<640000xi32, #tpu.memory_space<hbm>> -> memref<80xi32, #tpu.memory_space<hbm>>
      tpu.wait_dma2 semaphore(%arg20 : memref<!tpu.dma_semaphore, #tpu.memory_space<semaphore_mem>>) src(%dma_wait3A_179 : memref<80xi32, #tpu.memory_space<hbm>>) dst(%arg9 : memref<80xi32, #tpu.memory_space<vmem>>)
      %mul3A_180 = arith.constant 125 : i32
      %mul3A_181 = arith.muli %add3A, %mul3A_180 : i32
      %add3A_182 = arith.addi %mul3A_181, %add3A_108 : i32
      %mul3A_183 = arith.constant 40 : i32
      %mul3A_184 = arith.muli %add3A_182, %mul3A_183 : i32
      %dma_wait3A_185 = arith.constant 0 : i32
      %dma_wait3A_186 = tpu.memref_slice %arg4[%mul3A_184, %dma_wait3A_185] : memref<160000x128xi32, #tpu.memory_space<hbm>> -> memref<40x128xi32, #tpu.memory_space<hbm>>
      %dma_wait3A_187 = arith.constant 0 : i32
      %dma_wait3A_188 = tpu.memref_slice %arg4[%mul3A_184, %dma_wait3A_187] : memref<160000x128xi32, #tpu.memory_space<hbm>> -> memref<40x128xi32, #tpu.memory_space<hbm>>
      tpu.wait_dma2 semaphore(%arg22 : memref<!tpu.dma_semaphore, #tpu.memory_space<semaphore_mem>>) src(%dma_wait3A_188 : memref<40x128xi32, #tpu.memory_space<hbm>>) dst(%arg13 : memref<40x128xi32, #tpu.memory_space<vmem>>)
      %dma_wait3A_189 = arith.constant 0 : i32
      %dma_wait3A_190 = arith.constant 0 : i32
      %dma_wait3A_191 = tpu.memref_slice %arg14[%dma_wait3A_189, %dma_wait3A_190] : memref<10000x128xf32, #tpu.memory_space<vmem_shared>> -> memref<10000x128xf32, #tpu.memory_space<vmem_shared>>
      tpu.wait_indirect_dma semaphore(%arg23 : memref<!tpu.dma_semaphore, #tpu.memory_space<semaphore_mem>>) src(%arg10 : memref<80x128xf32, #tpu.memory_space<vmem>>) dst(%dma_wait3A_191 : memref<10000x128xf32, #tpu.memory_space<vmem_shared>>)
      %add3A_192 = arith.constant 2 : i32
      %add3A_193 = arith.addi %mul3A_106, %add3A_192 : i32
      %mul3A_194 = arith.constant 80 : i32
      %mul3A_195 = arith.muli %add3A_193, %mul3A_194 : i32
      %add3A_196 = arith.addi %mul3A_2, %mul3A_195 : i32
      %dma_wait3A_197 = tpu.memref_slice %arg3[%add3A_196] : memref<640000xi32, #tpu.memory_space<hbm>> -> memref<80xi32, #tpu.memory_space<hbm>>
      %dma_wait3A_198 = tpu.memref_slice %arg3[%add3A_196] : memref<640000xi32, #tpu.memory_space<hbm>> -> memref<80xi32, #tpu.memory_space<hbm>>
      tpu.wait_dma2 semaphore(%arg15 : memref<!tpu.dma_semaphore, #tpu.memory_space<semaphore_mem>>) src(%dma_wait3A_198 : memref<80xi32, #tpu.memory_space<hbm>>) dst(%arg6 : memref<80xi32, #tpu.memory_space<vmem>>)
      %add3A_199 = arith.constant 2 : i32
      %add3A_200 = arith.addi %mul3A_106, %add3A_199 : i32
      %dma_start3A_201 = arith.constant 0 : i32
      %dma_start3A_202 = arith.constant 0 : i32
      %dma_start3A_203 = tpu.memref_slice %arg2[%dma_start3A_201, %dma_start3A_202] : memref<10000x128xf32, #tpu.memory_space<hbm>> -> memref<10000x128xf32, #tpu.memory_space<hbm>>
      tpu.enqueue_indirect_dma source(%dma_start3A_203 : memref<10000x128xf32, #tpu.memory_space<hbm>>) target(%arg10 : memref<80x128xf32, #tpu.memory_space<vmem>>) offsets(%arg6 : memref<80xi32, #tpu.memory_space<vmem>>) semaphore(%arg17 : memref<!tpu.dma_semaphore, #tpu.memory_space<semaphore_mem>>)
      %add3A_204 = arith.constant 320000 : i32
      %add3A_205 = arith.addi %add3A_204, %mul3A_2 : i32
      %mul3A_206 = arith.constant 80 : i32
      %mul3A_207 = arith.muli %add3A_200, %mul3A_206 : i32
      %add3A_208 = arith.addi %add3A_205, %mul3A_207 : i32
      %dma_start3A_209 = tpu.memref_slice %arg3[%add3A_208] : memref<640000xi32, #tpu.memory_space<hbm>> -> memref<80xi32, #tpu.memory_space<hbm>>
      %dma_start3A_210 = tpu.memref_slice %arg3[%add3A_208] : memref<640000xi32, #tpu.memory_space<hbm>> -> memref<80xi32, #tpu.memory_space<hbm>>
      tpu.enqueue_dma source(%dma_start3A_210 : memref<80xi32, #tpu.memory_space<hbm>>) target(%arg8 : memref<80xi32, #tpu.memory_space<vmem>>) target_semaphore(%arg19 : memref<!tpu.dma_semaphore, #tpu.memory_space<semaphore_mem>>)
      %mul3A_211 = arith.constant 125 : i32
      %mul3A_212 = arith.muli %add3A, %mul3A_211 : i32
      %add3A_213 = arith.addi %mul3A_212, %add3A_200 : i32
      %mul3A_214 = arith.constant 40 : i32
      %mul3A_215 = arith.muli %add3A_213, %mul3A_214 : i32
      %dma_start3A_216 = arith.constant 0 : i32
      %dma_start3A_217 = tpu.memref_slice %arg4[%mul3A_215, %dma_start3A_216] : memref<160000x128xi32, #tpu.memory_space<hbm>> -> memref<40x128xi32, #tpu.memory_space<hbm>>
      %dma_start3A_218 = arith.constant 0 : i32
      %dma_start3A_219 = tpu.memref_slice %arg4[%mul3A_215, %dma_start3A_218] : memref<160000x128xi32, #tpu.memory_space<hbm>> -> memref<40x128xi32, #tpu.memory_space<hbm>>
      tpu.enqueue_dma source(%dma_start3A_219 : memref<40x128xi32, #tpu.memory_space<hbm>>) target(%arg12 : memref<40x128xi32, #tpu.memory_space<vmem>>) target_semaphore(%arg21 : memref<!tpu.dma_semaphore, #tpu.memory_space<semaphore_mem>>)
      %lt3A = arith.constant 61 : i32
      %lt3A_220 = arith.cmpi slt, %scan3A_104, %lt3A : i32
      %convert_element_type3A_221 = arith.extui %lt3A_220 : i1 to i32
      %cond3A_222 = arith.constant 0 : i32
      %cond3A_223 = arith.cmpi ne, %convert_element_type3A_221, %cond3A_222 : i32
      scf.if %cond3A_223 {
        %add3A_233 = arith.constant 2 : i32
        %add3A_234 = arith.addi %add3A_108, %add3A_233 : i32
        %mul3A_235 = arith.constant 80 : i32
        %mul3A_236 = arith.muli %add3A_234, %mul3A_235 : i32
        %add3A_237 = arith.addi %mul3A_2, %mul3A_236 : i32
        %dma_start3A_238 = tpu.memref_slice %arg3[%add3A_237] : memref<640000xi32, #tpu.memory_space<hbm>> -> memref<80xi32, #tpu.memory_space<hbm>>
        %dma_start3A_239 = tpu.memref_slice %arg3[%add3A_237] : memref<640000xi32, #tpu.memory_space<hbm>> -> memref<80xi32, #tpu.memory_space<hbm>>
        tpu.enqueue_dma source(%dma_start3A_239 : memref<80xi32, #tpu.memory_space<hbm>>) target(%arg7 : memref<80xi32, #tpu.memory_space<vmem>>) target_semaphore(%arg16 : memref<!tpu.dma_semaphore, #tpu.memory_space<semaphore_mem>>)
      } else {
      }
      %scan3A_224 = arith.constant 0 : i32
      %scan3A_225 = arith.constant 0 : i32
      %scan3A_226 = arith.constant 40 : i32
      %scan3A_227 = arith.addi %scan3A_225, %scan3A_226 : i32
      %scan3A_228 = arith.constant 1 : i32
      scf.for %scan3A_233 = %scan3A_225 to %scan3A_227 step %scan3A_228  : i32 {
        %add3A_234 = arith.constant 0 : i32
        %add3A_235 = arith.addi %scan3A_233, %add3A_234 : i32
        %get3A = arith.index_cast %scan3A_233 : i32 to index
        %get3A_236 = arith.constant 0 : index
        %get3A_237 = tpu.vector_load %arg13[%get3A, %get3A_236] {strides = array<i32>} : memref<40x128xi32, #tpu.memory_space<vmem>>, vector<1x16xi32>,
        %get3A_238 = vector.shape_cast %get3A_237 : vector<1x16xi32> to vector<16xi32>
        %shift_left3A = arith.constant 16 : i32
        %shift_left3A_239 = vector.broadcast %shift_left3A : i32 to vector<16xi32>
        %shift_left3A_240 = arith.shli %get3A_238, %shift_left3A_239 : vector<16xi32>
        %bitcast_convert_type3A = tpu.bitcast %shift_left3A_240 : vector<16xi32> -> vector<16xf32>
        %and3A = arith.constant -65536 : i32
        %and3A_241 = vector.broadcast %and3A : i32 to vector<16xi32>
        %and3A_242 = arith.andi %get3A_238, %and3A_241 : vector<16xi32>
        %bitcast_convert_type3A_243 = tpu.bitcast %and3A_242 : vector<16xi32> -> vector<16xf32>
        %get3A_244 = arith.index_cast %add3A_235 : i32 to index
        %get3A_245 = arith.constant 0 : index
        %get3A_246 = tpu.vector_load %arg11[%get3A_244, %get3A_245] {strides = array<i32>} : memref<80x128xf32, #tpu.memory_space<vmem>>, vector<1x16xf32>,
        %get3A_247 = vector.shape_cast %get3A_246 : vector<1x16xf32> to vector<16xf32>
        %add3A_248 = arith.addf %get3A_247, %bitcast_convert_type3A : vector<16xf32>
        %max3A = arith.constant 0.000000e+00 : f32
        %max3A_249 = vector.broadcast %max3A : f32 to vector<16xf32>
        %max3A_250 = arith.maximumf %add3A_248, %max3A_249 : vector<16xf32>
        %swap3A = arith.index_cast %add3A_235 : i32 to index
        %swap3A_251 = arith.constant 0 : index
        %swap3A_252 = tpu.vector_load %arg11[%swap3A, %swap3A_251] {strides = array<i32>} : memref<80x128xf32, #tpu.memory_space<vmem>>, vector<1x16xf32>,
        %swap3A_253 = vector.shape_cast %swap3A_252 : vector<1x16xf32> to vector<16xf32>
        %swap3A_254 = vector.shape_cast %max3A_250 : vector<16xf32> to vector<1x16xf32>
        tpu.vector_store %arg11[%swap3A, %swap3A_251], %swap3A_254 {strides = array<i32>} : memref<80x128xf32, #tpu.memory_space<vmem>>, vector<1x16xf32>,
        %get3A_255 = arith.index_cast %add3A_235 : i32 to index
        %get3A_256 = arith.constant 64 : index
        %get3A_257 = tpu.vector_load %arg11[%get3A_255, %get3A_256] {strides = array<i32>} : memref<80x128xf32, #tpu.memory_space<vmem>>, vector<1x16xf32>,
        %get3A_258 = vector.shape_cast %get3A_257 : vector<1x16xf32> to vector<16xf32>
        %add3A_259 = arith.addf %get3A_258, %bitcast_convert_type3A_243 : vector<16xf32>
        %max3A_260 = arith.constant 0.000000e+00 : f32
        %max3A_261 = vector.broadcast %max3A_260 : f32 to vector<16xf32>
        %max3A_262 = arith.maximumf %add3A_259, %max3A_261 : vector<16xf32>
        %swap3A_263 = arith.index_cast %add3A_235 : i32 to index
        %swap3A_264 = arith.constant 64 : index
        %swap3A_265 = tpu.vector_load %arg11[%swap3A_263, %swap3A_264] {strides = array<i32>} : memref<80x128xf32, #tpu.memory_space<vmem>>, vector<1x16xf32>,
        %swap3A_266 = vector.shape_cast %swap3A_265 : vector<1x16xf32> to vector<16xf32>
        %swap3A_267 = vector.shape_cast %max3A_262 : vector<16xf32> to vector<1x16xf32>
        tpu.vector_store %arg11[%swap3A_263, %swap3A_264], %swap3A_267 {strides = array<i32>} : memref<80x128xf32, #tpu.memory_space<vmem>>, vector<1x16xf32>,
        %get3A_268 = arith.index_cast %scan3A_233 : i32 to index
        %get3A_269 = arith.constant 16 : index
        %get3A_270 = tpu.vector_load %arg13[%get3A_268, %get3A_269] {strides = array<i32>} : memref<40x128xi32, #tpu.memory_space<vmem>>, vector<1x16xi32>,
        %get3A_271 = vector.shape_cast %get3A_270 : vector<1x16xi32> to vector<16xi32>
        %shift_left3A_272 = arith.constant 16 : i32
        %shift_left3A_273 = vector.broadcast %shift_left3A_272 : i32 to vector<16xi32>
        %shift_left3A_274 = arith.shli %get3A_271, %shift_left3A_273 : vector<16xi32>
        %bitcast_convert_type3A_275 = tpu.bitcast %shift_left3A_274 : vector<16xi32> -> vector<16xf32>
        %and3A_276 = arith.constant -65536 : i32
        %and3A_277 = vector.broadcast %and3A_276 : i32 to vector<16xi32>
        %and3A_278 = arith.andi %get3A_271, %and3A_277 : vector<16xi32>
        %bitcast_convert_type3A_279 = tpu.bitcast %and3A_278 : vector<16xi32> -> vector<16xf32>
        %get3A_280 = arith.index_cast %add3A_235 : i32 to index
        %get3A_281 = arith.constant 16 : index
        %get3A_282 = tpu.vector_load %arg11[%get3A_280, %get3A_281] {strides = array<i32>} : memref<80x128xf32, #tpu.memory_space<vmem>>, vector<1x16xf32>,
        %get3A_283 = vector.shape_cast %get3A_282 : vector<1x16xf32> to vector<16xf32>
        %add3A_284 = arith.addf %get3A_283, %bitcast_convert_type3A_275 : vector<16xf32>
        %max3A_285 = arith.constant 0.000000e+00 : f32
        %max3A_286 = vector.broadcast %max3A_285 : f32 to vector<16xf32>
        %max3A_287 = arith.maximumf %add3A_284, %max3A_286 : vector<16xf32>
        %swap3A_288 = arith.index_cast %add3A_235 : i32 to index
        %swap3A_289 = arith.constant 16 : index
        %swap3A_290 = tpu.vector_load %arg11[%swap3A_288, %swap3A_289] {strides = array<i32>} : memref<80x128xf32, #tpu.memory_space<vmem>>, vector<1x16xf32>,
        %swap3A_291 = vector.shape_cast %swap3A_290 : vector<1x16xf32> to vector<16xf32>
        %swap3A_292 = vector.shape_cast %max3A_287 : vector<16xf32> to vector<1x16xf32>
        tpu.vector_store %arg11[%swap3A_288, %swap3A_289], %swap3A_292 {strides = array<i32>} : memref<80x128xf32, #tpu.memory_space<vmem>>, vector<1x16xf32>,
        %get3A_293 = arith.index_cast %add3A_235 : i32 to index
        %get3A_294 = arith.constant 80 : index
        %get3A_295 = tpu.vector_load %arg11[%get3A_293, %get3A_294] {strides = array<i32>} : memref<80x128xf32, #tpu.memory_space<vmem>>, vector<1x16xf32>,
        %get3A_296 = vector.shape_cast %get3A_295 : vector<1x16xf32> to vector<16xf32>
        %add3A_297 = arith.addf %get3A_296, %bitcast_convert_type3A_279 : vector<16xf32>
        %max3A_298 = arith.constant 0.000000e+00 : f32
        %max3A_299 = vector.broadcast %max3A_298 : f32 to vector<16xf32>
        %max3A_300 = arith.maximumf %add3A_297, %max3A_299 : vector<16xf32>
        %swap3A_301 = arith.index_cast %add3A_235 : i32 to index
        %swap3A_302 = arith.constant 80 : index
        %swap3A_303 = tpu.vector_load %arg11[%swap3A_301, %swap3A_302] {strides = array<i32>} : memref<80x128xf32, #tpu.memory_space<vmem>>, vector<1x16xf32>,
        %swap3A_304 = vector.shape_cast %swap3A_303 : vector<1x16xf32> to vector<16xf32>
        %swap3A_305 = vector.shape_cast %max3A_300 : vector<16xf32> to vector<1x16xf32>
        tpu.vector_store %arg11[%swap3A_301, %swap3A_302], %swap3A_305 {strides = array<i32>} : memref<80x128xf32, #tpu.memory_space<vmem>>, vector<1x16xf32>,
        %get3A_306 = arith.index_cast %scan3A_233 : i32 to index
        %get3A_307 = arith.constant 32 : index
        %get3A_308 = tpu.vector_load %arg13[%get3A_306, %get3A_307] {strides = array<i32>} : memref<40x128xi32, #tpu.memory_space<vmem>>, vector<1x16xi32>,
        %get3A_309 = vector.shape_cast %get3A_308 : vector<1x16xi32> to vector<16xi32>
        %shift_left3A_310 = arith.constant 16 : i32
        %shift_left3A_311 = vector.broadcast %shift_left3A_310 : i32 to vector<16xi32>
        %shift_left3A_312 = arith.shli %get3A_309, %shift_left3A_311 : vector<16xi32>
        %bitcast_convert_type3A_313 = tpu.bitcast %shift_left3A_312 : vector<16xi32> -> vector<16xf32>
        %and3A_314 = arith.constant -65536 : i32
        %and3A_315 = vector.broadcast %and3A_314 : i32 to vector<16xi32>
        %and3A_316 = arith.andi %get3A_309, %and3A_315 : vector<16xi32>
        %bitcast_convert_type3A_317 = tpu.bitcast %and3A_316 : vector<16xi32> -> vector<16xf32>
        %get3A_318 = arith.index_cast %add3A_235 : i32 to index
        %get3A_319 = arith.constant 32 : index
        %get3A_320 = tpu.vector_load %arg11[%get3A_318, %get3A_319] {strides = array<i32>} : memref<80x128xf32, #tpu.memory_space<vmem>>, vector<1x16xf32>,
        %get3A_321 = vector.shape_cast %get3A_320 : vector<1x16xf32> to vector<16xf32>
        %add3A_322 = arith.addf %get3A_321, %bitcast_convert_type3A_313 : vector<16xf32>
        %max3A_323 = arith.constant 0.000000e+00 : f32
        %max3A_324 = vector.broadcast %max3A_323 : f32 to vector<16xf32>
        %max3A_325 = arith.maximumf %add3A_322, %max3A_324 : vector<16xf32>
        %swap3A_326 = arith.index_cast %add3A_235 : i32 to index
        %swap3A_327 = arith.constant 32 : index
        %swap3A_328 = tpu.vector_load %arg11[%swap3A_326, %swap3A_327] {strides = array<i32>} : memref<80x128xf32, #tpu.memory_space<vmem>>, vector<1x16xf32>,
        %swap3A_329 = vector.shape_cast %swap3A_328 : vector<1x16xf32> to vector<16xf32>
        %swap3A_330 = vector.shape_cast %max3A_325 : vector<16xf32> to vector<1x16xf32>
        tpu.vector_store %arg11[%swap3A_326, %swap3A_327], %swap3A_330 {strides = array<i32>} : memref<80x128xf32, #tpu.memory_space<vmem>>, vector<1x16xf32>,
        %get3A_331 = arith.index_cast %add3A_235 : i32 to index
        %get3A_332 = arith.constant 96 : index
        %get3A_333 = tpu.vector_load %arg11[%get3A_331, %get3A_332] {strides = array<i32>} : memref<80x128xf32, #tpu.memory_space<vmem>>, vector<1x16xf32>,
        %get3A_334 = vector.shape_cast %get3A_333 : vector<1x16xf32> to vector<16xf32>
        %add3A_335 = arith.addf %get3A_334, %bitcast_convert_type3A_317 : vector<16xf32>
        %max3A_336 = arith.constant 0.000000e+00 : f32
        %max3A_337 = vector.broadcast %max3A_336 : f32 to vector<16xf32>
        %max3A_338 = arith.maximumf %add3A_335, %max3A_337 : vector<16xf32>
        %swap3A_339 = arith.index_cast %add3A_235 : i32 to index
        %swap3A_340 = arith.constant 96 : index
        %swap3A_341 = tpu.vector_load %arg11[%swap3A_339, %swap3A_340] {strides = array<i32>} : memref<80x128xf32, #tpu.memory_space<vmem>>, vector<1x16xf32>,
        %swap3A_342 = vector.shape_cast %swap3A_341 : vector<1x16xf32> to vector<16xf32>
        %swap3A_343 = vector.shape_cast %max3A_338 : vector<16xf32> to vector<1x16xf32>
        tpu.vector_store %arg11[%swap3A_339, %swap3A_340], %swap3A_343 {strides = array<i32>} : memref<80x128xf32, #tpu.memory_space<vmem>>, vector<1x16xf32>,
        %get3A_344 = arith.index_cast %scan3A_233 : i32 to index
        %get3A_345 = arith.constant 48 : index
        %get3A_346 = tpu.vector_load %arg13[%get3A_344, %get3A_345] {strides = array<i32>} : memref<40x128xi32, #tpu.memory_space<vmem>>, vector<1x16xi32>,
        %get3A_347 = vector.shape_cast %get3A_346 : vector<1x16xi32> to vector<16xi32>
        %shift_left3A_348 = arith.constant 16 : i32
        %shift_left3A_349 = vector.broadcast %shift_left3A_348 : i32 to vector<16xi32>
        %shift_left3A_350 = arith.shli %get3A_347, %shift_left3A_349 : vector<16xi32>
        %bitcast_convert_type3A_351 = tpu.bitcast %shift_left3A_350 : vector<16xi32> -> vector<16xf32>
        %and3A_352 = arith.constant -65536 : i32
        %and3A_353 = vector.broadcast %and3A_352 : i32 to vector<16xi32>
        %and3A_354 = arith.andi %get3A_347, %and3A_353 : vector<16xi32>
        %bitcast_convert_type3A_355 = tpu.bitcast %and3A_354 : vector<16xi32> -> vector<16xf32>
        %get3A_356 = arith.index_cast %add3A_235 : i32 to index
        %get3A_357 = arith.constant 48 : index
        %get3A_358 = tpu.vector_load %arg11[%get3A_356, %get3A_357] {strides = array<i32>} : memref<80x128xf32, #tpu.memory_space<vmem>>, vector<1x16xf32>,
        %get3A_359 = vector.shape_cast %get3A_358 : vector<1x16xf32> to vector<16xf32>
        %add3A_360 = arith.addf %get3A_359, %bitcast_convert_type3A_351 : vector<16xf32>
        %max3A_361 = arith.constant 0.000000e+00 : f32
        %max3A_362 = vector.broadcast %max3A_361 : f32 to vector<16xf32>
        %max3A_363 = arith.maximumf %add3A_360, %max3A_362 : vector<16xf32>
        %swap3A_364 = arith.index_cast %add3A_235 : i32 to index
        %swap3A_365 = arith.constant 48 : index
        %swap3A_366 = tpu.vector_load %arg11[%swap3A_364, %swap3A_365] {strides = array<i32>} : memref<80x128xf32, #tpu.memory_space<vmem>>, vector<1x16xf32>,
        %swap3A_367 = vector.shape_cast %swap3A_366 : vector<1x16xf32> to vector<16xf32>
        %swap3A_368 = vector.shape_cast %max3A_363 : vector<16xf32> to vector<1x16xf32>
        tpu.vector_store %arg11[%swap3A_364, %swap3A_365], %swap3A_368 {strides = array<i32>} : memref<80x128xf32, #tpu.memory_space<vmem>>, vector<1x16xf32>,
        %get3A_369 = arith.index_cast %add3A_235 : i32 to index
        %get3A_370 = arith.constant 112 : index
        %get3A_371 = tpu.vector_load %arg11[%get3A_369, %get3A_370] {strides = array<i32>} : memref<80x128xf32, #tpu.memory_space<vmem>>, vector<1x16xf32>,
        %get3A_372 = vector.shape_cast %get3A_371 : vector<1x16xf32> to vector<16xf32>
        %add3A_373 = arith.addf %get3A_372, %bitcast_convert_type3A_355 : vector<16xf32>
        %max3A_374 = arith.constant 0.000000e+00 : f32
        %max3A_375 = vector.broadcast %max3A_374 : f32 to vector<16xf32>
        %max3A_376 = arith.maximumf %add3A_373, %max3A_375 : vector<16xf32>
        %swap3A_377 = arith.index_cast %add3A_235 : i32 to index
        %swap3A_378 = arith.constant 112 : index
        %swap3A_379 = tpu.vector_load %arg11[%swap3A_377, %swap3A_378] {strides = array<i32>} : memref<80x128xf32, #tpu.memory_space<vmem>>, vector<1x16xf32>,
        %swap3A_380 = vector.shape_cast %swap3A_379 : vector<1x16xf32> to vector<16xf32>
        %swap3A_381 = vector.shape_cast %max3A_376 : vector<16xf32> to vector<1x16xf32>
        tpu.vector_store %arg11[%swap3A_377, %swap3A_378], %swap3A_381 {strides = array<i32>} : memref<80x128xf32, #tpu.memory_space<vmem>>, vector<1x16xf32>,
        %add3A_382 = arith.constant 40 : i32
        %add3A_383 = arith.addi %scan3A_233, %add3A_382 : i32
        %get3A_384 = arith.index_cast %scan3A_233 : i32 to index
        %get3A_385 = arith.constant 64 : index
        %get3A_386 = tpu.vector_load %arg13[%get3A_384, %get3A_385] {strides = array<i32>} : memref<40x128xi32, #tpu.memory_space<vmem>>, vector<1x16xi32>,
        %get3A_387 = vector.shape_cast %get3A_386 : vector<1x16xi32> to vector<16xi32>
        %shift_left3A_388 = arith.constant 16 : i32
        %shift_left3A_389 = vector.broadcast %shift_left3A_388 : i32 to vector<16xi32>
        %shift_left3A_390 = arith.shli %get3A_387, %shift_left3A_389 : vector<16xi32>
        %bitcast_convert_type3A_391 = tpu.bitcast %shift_left3A_390 : vector<16xi32> -> vector<16xf32>
        %and3A_392 = arith.constant -65536 : i32
        %and3A_393 = vector.broadcast %and3A_392 : i32 to vector<16xi32>
        %and3A_394 = arith.andi %get3A_387, %and3A_393 : vector<16xi32>
        %bitcast_convert_type3A_395 = tpu.bitcast %and3A_394 : vector<16xi32> -> vector<16xf32>
        %get3A_396 = arith.index_cast %add3A_383 : i32 to index
        %get3A_397 = arith.constant 0 : index
        %get3A_398 = tpu.vector_load %arg11[%get3A_396, %get3A_397] {strides = array<i32>} : memref<80x128xf32, #tpu.memory_space<vmem>>, vector<1x16xf32>,
        %get3A_399 = vector.shape_cast %get3A_398 : vector<1x16xf32> to vector<16xf32>
        %add3A_400 = arith.addf %get3A_399, %bitcast_convert_type3A_391 : vector<16xf32>
        %max3A_401 = arith.constant 0.000000e+00 : f32
        %max3A_402 = vector.broadcast %max3A_401 : f32 to vector<16xf32>
        %max3A_403 = arith.maximumf %add3A_400, %max3A_402 : vector<16xf32>
        %swap3A_404 = arith.index_cast %add3A_383 : i32 to index
        %swap3A_405 = arith.constant 0 : index
        %swap3A_406 = tpu.vector_load %arg11[%swap3A_404, %swap3A_405] {strides = array<i32>} : memref<80x128xf32, #tpu.memory_space<vmem>>, vector<1x16xf32>,
        %swap3A_407 = vector.shape_cast %swap3A_406 : vector<1x16xf32> to vector<16xf32>
        %swap3A_408 = vector.shape_cast %max3A_403 : vector<16xf32> to vector<1x16xf32>
        tpu.vector_store %arg11[%swap3A_404, %swap3A_405], %swap3A_408 {strides = array<i32>} : memref<80x128xf32, #tpu.memory_space<vmem>>, vector<1x16xf32>,
        %get3A_409 = arith.index_cast %add3A_383 : i32 to index
        %get3A_410 = arith.constant 64 : index
        %get3A_411 = tpu.vector_load %arg11[%get3A_409, %get3A_410] {strides = array<i32>} : memref<80x128xf32, #tpu.memory_space<vmem>>, vector<1x16xf32>,
        %get3A_412 = vector.shape_cast %get3A_411 : vector<1x16xf32> to vector<16xf32>
        %add3A_413 = arith.addf %get3A_412, %bitcast_convert_type3A_395 : vector<16xf32>
        %max3A_414 = arith.constant 0.000000e+00 : f32
        %max3A_415 = vector.broadcast %max3A_414 : f32 to vector<16xf32>
        %max3A_416 = arith.maximumf %add3A_413, %max3A_415 : vector<16xf32>
        %swap3A_417 = arith.index_cast %add3A_383 : i32 to index
        %swap3A_418 = arith.constant 64 : index
        %swap3A_419 = tpu.vector_load %arg11[%swap3A_417, %swap3A_418] {strides = array<i32>} : memref<80x128xf32, #tpu.memory_space<vmem>>, vector<1x16xf32>,
        %swap3A_420 = vector.shape_cast %swap3A_419 : vector<1x16xf32> to vector<16xf32>
        %swap3A_421 = vector.shape_cast %max3A_416 : vector<16xf32> to vector<1x16xf32>
        tpu.vector_store %arg11[%swap3A_417, %swap3A_418], %swap3A_421 {strides = array<i32>} : memref<80x128xf32, #tpu.memory_space<vmem>>, vector<1x16xf32>,
        %get3A_422 = arith.index_cast %scan3A_233 : i32 to index
        %get3A_423 = arith.constant 80 : index
        %get3A_424 = tpu.vector_load %arg13[%get3A_422, %get3A_423] {strides = array<i32>} : memref<40x128xi32, #tpu.memory_space<vmem>>, vector<1x16xi32>,
        %get3A_425 = vector.shape_cast %get3A_424 : vector<1x16xi32> to vector<16xi32>
        %shift_left3A_426 = arith.constant 16 : i32
        %shift_left3A_427 = vector.broadcast %shift_left3A_426 : i32 to vector<16xi32>
        %shift_left3A_428 = arith.shli %get3A_425, %shift_left3A_427 : vector<16xi32>
        %bitcast_convert_type3A_429 = tpu.bitcast %shift_left3A_428 : vector<16xi32> -> vector<16xf32>
        %and3A_430 = arith.constant -65536 : i32
        %and3A_431 = vector.broadcast %and3A_430 : i32 to vector<16xi32>
        %and3A_432 = arith.andi %get3A_425, %and3A_431 : vector<16xi32>
        %bitcast_convert_type3A_433 = tpu.bitcast %and3A_432 : vector<16xi32> -> vector<16xf32>
        %get3A_434 = arith.index_cast %add3A_383 : i32 to index
        %get3A_435 = arith.constant 16 : index
        %get3A_436 = tpu.vector_load %arg11[%get3A_434, %get3A_435] {strides = array<i32>} : memref<80x128xf32, #tpu.memory_space<vmem>>, vector<1x16xf32>,
        %get3A_437 = vector.shape_cast %get3A_436 : vector<1x16xf32> to vector<16xf32>
        %add3A_438 = arith.addf %get3A_437, %bitcast_convert_type3A_429 : vector<16xf32>
        %max3A_439 = arith.constant 0.000000e+00 : f32
        %max3A_440 = vector.broadcast %max3A_439 : f32 to vector<16xf32>
        %max3A_441 = arith.maximumf %add3A_438, %max3A_440 : vector<16xf32>
        %swap3A_442 = arith.index_cast %add3A_383 : i32 to index
        %swap3A_443 = arith.constant 16 : index
        %swap3A_444 = tpu.vector_load %arg11[%swap3A_442, %swap3A_443] {strides = array<i32>} : memref<80x128xf32, #tpu.memory_space<vmem>>, vector<1x16xf32>,
        %swap3A_445 = vector.shape_cast %swap3A_444 : vector<1x16xf32> to vector<16xf32>
        %swap3A_446 = vector.shape_cast %max3A_441 : vector<16xf32> to vector<1x16xf32>
        tpu.vector_store %arg11[%swap3A_442, %swap3A_443], %swap3A_446 {strides = array<i32>} : memref<80x128xf32, #tpu.memory_space<vmem>>, vector<1x16xf32>,
        %get3A_447 = arith.index_cast %add3A_383 : i32 to index
        %get3A_448 = arith.constant 80 : index
        %get3A_449 = tpu.vector_load %arg11[%get3A_447, %get3A_448] {strides = array<i32>} : memref<80x128xf32, #tpu.memory_space<vmem>>, vector<1x16xf32>,
        %get3A_450 = vector.shape_cast %get3A_449 : vector<1x16xf32> to vector<16xf32>
        %add3A_451 = arith.addf %get3A_450, %bitcast_convert_type3A_433 : vector<16xf32>
        %max3A_452 = arith.constant 0.000000e+00 : f32
        %max3A_453 = vector.broadcast %max3A_452 : f32 to vector<16xf32>
        %max3A_454 = arith.maximumf %add3A_451, %max3A_453 : vector<16xf32>
        %swap3A_455 = arith.index_cast %add3A_383 : i32 to index
        %swap3A_456 = arith.constant 80 : index
        %swap3A_457 = tpu.vector_load %arg11[%swap3A_455, %swap3A_456] {strides = array<i32>} : memref<80x128xf32, #tpu.memory_space<vmem>>, vector<1x16xf32>,
        %swap3A_458 = vector.shape_cast %swap3A_457 : vector<1x16xf32> to vector<16xf32>
        %swap3A_459 = vector.shape_cast %max3A_454 : vector<16xf32> to vector<1x16xf32>
        tpu.vector_store %arg11[%swap3A_455, %swap3A_456], %swap3A_459 {strides = array<i32>} : memref<80x128xf32, #tpu.memory_space<vmem>>, vector<1x16xf32>,
        %get3A_460 = arith.index_cast %scan3A_233 : i32 to index
        %get3A_461 = arith.constant 96 : index
        %get3A_462 = tpu.vector_load %arg13[%get3A_460, %get3A_461] {strides = array<i32>} : memref<40x128xi32, #tpu.memory_space<vmem>>, vector<1x16xi32>,
        %get3A_463 = vector.shape_cast %get3A_462 : vector<1x16xi32> to vector<16xi32>
        %shift_left3A_464 = arith.constant 16 : i32
        %shift_left3A_465 = vector.broadcast %shift_left3A_464 : i32 to vector<16xi32>
        %shift_left3A_466 = arith.shli %get3A_463, %shift_left3A_465 : vector<16xi32>
        %bitcast_convert_type3A_467 = tpu.bitcast %shift_left3A_466 : vector<16xi32> -> vector<16xf32>
        %and3A_468 = arith.constant -65536 : i32
        %and3A_469 = vector.broadcast %and3A_468 : i32 to vector<16xi32>
        %and3A_470 = arith.andi %get3A_463, %and3A_469 : vector<16xi32>
        %bitcast_convert_type3A_471 = tpu.bitcast %and3A_470 : vector<16xi32> -> vector<16xf32>
        %get3A_472 = arith.index_cast %add3A_383 : i32 to index
        %get3A_473 = arith.constant 32 : index
        %get3A_474 = tpu.vector_load %arg11[%get3A_472, %get3A_473] {strides = array<i32>} : memref<80x128xf32, #tpu.memory_space<vmem>>, vector<1x16xf32>,
        %get3A_475 = vector.shape_cast %get3A_474 : vector<1x16xf32> to vector<16xf32>
        %add3A_476 = arith.addf %get3A_475, %bitcast_convert_type3A_467 : vector<16xf32>
        %max3A_477 = arith.constant 0.000000e+00 : f32
        %max3A_478 = vector.broadcast %max3A_477 : f32 to vector<16xf32>
        %max3A_479 = arith.maximumf %add3A_476, %max3A_478 : vector<16xf32>
        %swap3A_480 = arith.index_cast %add3A_383 : i32 to index
        %swap3A_481 = arith.constant 32 : index
        %swap3A_482 = tpu.vector_load %arg11[%swap3A_480, %swap3A_481] {strides = array<i32>} : memref<80x128xf32, #tpu.memory_space<vmem>>, vector<1x16xf32>,
        %swap3A_483 = vector.shape_cast %swap3A_482 : vector<1x16xf32> to vector<16xf32>
        %swap3A_484 = vector.shape_cast %max3A_479 : vector<16xf32> to vector<1x16xf32>
        tpu.vector_store %arg11[%swap3A_480, %swap3A_481], %swap3A_484 {strides = array<i32>} : memref<80x128xf32, #tpu.memory_space<vmem>>, vector<1x16xf32>,
        %get3A_485 = arith.index_cast %add3A_383 : i32 to index
        %get3A_486 = arith.constant 96 : index
        %get3A_487 = tpu.vector_load %arg11[%get3A_485, %get3A_486] {strides = array<i32>} : memref<80x128xf32, #tpu.memory_space<vmem>>, vector<1x16xf32>,
        %get3A_488 = vector.shape_cast %get3A_487 : vector<1x16xf32> to vector<16xf32>
        %add3A_489 = arith.addf %get3A_488, %bitcast_convert_type3A_471 : vector<16xf32>
        %max3A_490 = arith.constant 0.000000e+00 : f32
        %max3A_491 = vector.broadcast %max3A_490 : f32 to vector<16xf32>
        %max3A_492 = arith.maximumf %add3A_489, %max3A_491 : vector<16xf32>
        %swap3A_493 = arith.index_cast %add3A_383 : i32 to index
        %swap3A_494 = arith.constant 96 : index
        %swap3A_495 = tpu.vector_load %arg11[%swap3A_493, %swap3A_494] {strides = array<i32>} : memref<80x128xf32, #tpu.memory_space<vmem>>, vector<1x16xf32>,
        %swap3A_496 = vector.shape_cast %swap3A_495 : vector<1x16xf32> to vector<16xf32>
        %swap3A_497 = vector.shape_cast %max3A_492 : vector<16xf32> to vector<1x16xf32>
        tpu.vector_store %arg11[%swap3A_493, %swap3A_494], %swap3A_497 {strides = array<i32>} : memref<80x128xf32, #tpu.memory_space<vmem>>, vector<1x16xf32>,
        %get3A_498 = arith.index_cast %scan3A_233 : i32 to index
        %get3A_499 = arith.constant 112 : index
        %get3A_500 = tpu.vector_load %arg13[%get3A_498, %get3A_499] {strides = array<i32>} : memref<40x128xi32, #tpu.memory_space<vmem>>, vector<1x16xi32>,
        %get3A_501 = vector.shape_cast %get3A_500 : vector<1x16xi32> to vector<16xi32>
        %shift_left3A_502 = arith.constant 16 : i32
        %shift_left3A_503 = vector.broadcast %shift_left3A_502 : i32 to vector<16xi32>
        %shift_left3A_504 = arith.shli %get3A_501, %shift_left3A_503 : vector<16xi32>
        %bitcast_convert_type3A_505 = tpu.bitcast %shift_left3A_504 : vector<16xi32> -> vector<16xf32>
        %and3A_506 = arith.constant -65536 : i32
        %and3A_507 = vector.broadcast %and3A_506 : i32 to vector<16xi32>
        %and3A_508 = arith.andi %get3A_501, %and3A_507 : vector<16xi32>
        %bitcast_convert_type3A_509 = tpu.bitcast %and3A_508 : vector<16xi32> -> vector<16xf32>
        %get3A_510 = arith.index_cast %add3A_383 : i32 to index
        %get3A_511 = arith.constant 48 : index
        %get3A_512 = tpu.vector_load %arg11[%get3A_510, %get3A_511] {strides = array<i32>} : memref<80x128xf32, #tpu.memory_space<vmem>>, vector<1x16xf32>,
        %get3A_513 = vector.shape_cast %get3A_512 : vector<1x16xf32> to vector<16xf32>
        %add3A_514 = arith.addf %get3A_513, %bitcast_convert_type3A_505 : vector<16xf32>
        %max3A_515 = arith.constant 0.000000e+00 : f32
        %max3A_516 = vector.broadcast %max3A_515 : f32 to vector<16xf32>
        %max3A_517 = arith.maximumf %add3A_514, %max3A_516 : vector<16xf32>
        %swap3A_518 = arith.index_cast %add3A_383 : i32 to index
        %swap3A_519 = arith.constant 48 : index
        %swap3A_520 = tpu.vector_load %arg11[%swap3A_518, %swap3A_519] {strides = array<i32>} : memref<80x128xf32, #tpu.memory_space<vmem>>, vector<1x16xf32>,
        %swap3A_521 = vector.shape_cast %swap3A_520 : vector<1x16xf32> to vector<16xf32>
        %swap3A_522 = vector.shape_cast %max3A_517 : vector<16xf32> to vector<1x16xf32>
        tpu.vector_store %arg11[%swap3A_518, %swap3A_519], %swap3A_522 {strides = array<i32>} : memref<80x128xf32, #tpu.memory_space<vmem>>, vector<1x16xf32>,
        %get3A_523 = arith.index_cast %add3A_383 : i32 to index
        %get3A_524 = arith.constant 112 : index
        %get3A_525 = tpu.vector_load %arg11[%get3A_523, %get3A_524] {strides = array<i32>} : memref<80x128xf32, #tpu.memory_space<vmem>>, vector<1x16xf32>,
        %get3A_526 = vector.shape_cast %get3A_525 : vector<1x16xf32> to vector<16xf32>
        %add3A_527 = arith.addf %get3A_526, %bitcast_convert_type3A_509 : vector<16xf32>
        %max3A_528 = arith.constant 0.000000e+00 : f32
        %max3A_529 = vector.broadcast %max3A_528 : f32 to vector<16xf32>
        %max3A_530 = arith.maximumf %add3A_527, %max3A_529 : vector<16xf32>
        %swap3A_531 = arith.index_cast %add3A_383 : i32 to index
        %swap3A_532 = arith.constant 112 : index
        %swap3A_533 = tpu.vector_load %arg11[%swap3A_531, %swap3A_532] {strides = array<i32>} : memref<80x128xf32, #tpu.memory_space<vmem>>, vector<1x16xf32>,
        %swap3A_534 = vector.shape_cast %swap3A_533 : vector<1x16xf32> to vector<16xf32>
        %swap3A_535 = vector.shape_cast %max3A_530 : vector<16xf32> to vector<1x16xf32>
        tpu.vector_store %arg11[%swap3A_531, %swap3A_532], %swap3A_535 {strides = array<i32>} : memref<80x128xf32, #tpu.memory_space<vmem>>, vector<1x16xf32>,
      }
      %scan3A_229 = arith.constant 40 : i32
      %dma_start3A_230 = arith.constant 0 : i32
      %dma_start3A_231 = arith.constant 0 : i32
      %dma_start3A_232 = tpu.memref_slice %arg14[%dma_start3A_230, %dma_start3A_231] : memref<10000x128xf32, #tpu.memory_space<vmem_shared>> -> memref<10000x128xf32, #tpu.memory_space<vmem_shared>>
      tpu.enqueue_indirect_dma source(%arg11 : memref<80x128xf32, #tpu.memory_space<vmem>>) target(%dma_start3A_232 : memref<10000x128xf32, #tpu.memory_space<vmem_shared>>) offsets(%arg9 : memref<80xi32, #tpu.memory_space<vmem>>) semaphore(%arg24 : memref<!tpu.dma_semaphore, #tpu.memory_space<semaphore_mem>>) {add = true}
    }
    %scan3A_53 = arith.constant 62 : i32
    %dma_wait3A_54 = arith.constant 0 : i32
    %dma_wait3A_55 = arith.constant 0 : i32
    %dma_wait3A_56 = tpu.memref_slice %arg2[%dma_wait3A_54, %dma_wait3A_55] : memref<10000x128xf32, #tpu.memory_space<hbm>> -> memref<10000x128xf32, #tpu.memory_space<hbm>>
    tpu.wait_indirect_dma semaphore(%arg17 : memref<!tpu.dma_semaphore, #tpu.memory_space<semaphore_mem>>) src(%dma_wait3A_56 : memref<10000x128xf32, #tpu.memory_space<hbm>>) dst(%arg10 : memref<80x128xf32, #tpu.memory_space<vmem>>)
    %add3A_57 = arith.constant 320000 : i32
    %add3A_58 = arith.addi %add3A_57, %mul3A_2 : i32
    %add3A_59 = arith.constant 9920 : i32
    %add3A_60 = arith.addi %add3A_58, %add3A_59 : i32
    %dma_wait3A_61 = tpu.memref_slice %arg3[%add3A_60] : memref<640000xi32, #tpu.memory_space<hbm>> -> memref<80xi32, #tpu.memory_space<hbm>>
    %dma_wait3A_62 = tpu.memref_slice %arg3[%add3A_60] : memref<640000xi32, #tpu.memory_space<hbm>> -> memref<80xi32, #tpu.memory_space<hbm>>
    tpu.wait_dma2 semaphore(%arg19 : memref<!tpu.dma_semaphore, #tpu.memory_space<semaphore_mem>>) src(%dma_wait3A_62 : memref<80xi32, #tpu.memory_space<hbm>>) dst(%arg8 : memref<80xi32, #tpu.memory_space<vmem>>)
    %mul3A_63 = arith.constant 125 : i32
    %mul3A_64 = arith.muli %add3A, %mul3A_63 : i32
    %add3A_65 = arith.constant 124 : i32
    %add3A_66 = arith.addi %mul3A_64, %add3A_65 : i32
    %mul3A_67 = arith.constant 40 : i32
    %mul3A_68 = arith.muli %add3A_66, %mul3A_67 : i32
    %dma_wait3A_69 = arith.constant 0 : i32
    %dma_wait3A_70 = tpu.memref_slice %arg4[%mul3A_68, %dma_wait3A_69] : memref<160000x128xi32, #tpu.memory_space<hbm>> -> memref<40x128xi32, #tpu.memory_space<hbm>>
    %dma_wait3A_71 = arith.constant 0 : i32
    %dma_wait3A_72 = tpu.memref_slice %arg4[%mul3A_68, %dma_wait3A_71] : memref<160000x128xi32, #tpu.memory_space<hbm>> -> memref<40x128xi32, #tpu.memory_space<hbm>>
    tpu.wait_dma2 semaphore(%arg21 : memref<!tpu.dma_semaphore, #tpu.memory_space<semaphore_mem>>) src(%dma_wait3A_72 : memref<40x128xi32, #tpu.memory_space<hbm>>) dst(%arg12 : memref<40x128xi32, #tpu.memory_space<vmem>>)
    %dma_wait3A_73 = arith.constant 0 : i32
    %dma_wait3A_74 = arith.constant 0 : i32
    %dma_wait3A_75 = tpu.memref_slice %arg14[%dma_wait3A_73, %dma_wait3A_74] : memref<10000x128xf32, #tpu.memory_space<vmem_shared>> -> memref<10000x128xf32, #tpu.memory_space<vmem_shared>>
    tpu.wait_indirect_dma semaphore(%arg24 : memref<!tpu.dma_semaphore, #tpu.memory_space<semaphore_mem>>) src(%arg11 : memref<80x128xf32, #tpu.memory_space<vmem>>) dst(%dma_wait3A_75 : memref<10000x128xf32, #tpu.memory_space<vmem_shared>>)
    %scan3A_76 = arith.constant 0 : i32
    %scan3A_77 = arith.constant 0 : i32
    %scan3A_78 = arith.constant 40 : i32
    %scan3A_79 = arith.addi %scan3A_77, %scan3A_78 : i32
    %scan3A_80 = arith.constant 1 : i32
    scf.for %scan3A_104 = %scan3A_77 to %scan3A_79 step %scan3A_80  : i32 {
      %add3A_105 = arith.constant 0 : i32
      %add3A_106 = arith.addi %scan3A_104, %add3A_105 : i32
      %get3A = arith.index_cast %scan3A_104 : i32 to index
      %get3A_107 = arith.constant 0 : index
      %get3A_108 = tpu.vector_load %arg12[%get3A, %get3A_107] {strides = array<i32>} : memref<40x128xi32, #tpu.memory_space<vmem>>, vector<1x16xi32>,
      %get3A_109 = vector.shape_cast %get3A_108 : vector<1x16xi32> to vector<16xi32>
      %shift_left3A = arith.constant 16 : i32
      %shift_left3A_110 = vector.broadcast %shift_left3A : i32 to vector<16xi32>
      %shift_left3A_111 = arith.shli %get3A_109, %shift_left3A_110 : vector<16xi32>
      %bitcast_convert_type3A = tpu.bitcast %shift_left3A_111 : vector<16xi32> -> vector<16xf32>
      %and3A = arith.constant -65536 : i32
      %and3A_112 = vector.broadcast %and3A : i32 to vector<16xi32>
      %and3A_113 = arith.andi %get3A_109, %and3A_112 : vector<16xi32>
      %bitcast_convert_type3A_114 = tpu.bitcast %and3A_113 : vector<16xi32> -> vector<16xf32>
      %get3A_115 = arith.index_cast %add3A_106 : i32 to index
      %get3A_116 = arith.constant 0 : index
      %get3A_117 = tpu.vector_load %arg10[%get3A_115, %get3A_116] {strides = array<i32>} : memref<80x128xf32, #tpu.memory_space<vmem>>, vector<1x16xf32>,
      %get3A_118 = vector.shape_cast %get3A_117 : vector<1x16xf32> to vector<16xf32>
      %add3A_119 = arith.addf %get3A_118, %bitcast_convert_type3A : vector<16xf32>
      %max3A = arith.constant 0.000000e+00 : f32
      %max3A_120 = vector.broadcast %max3A : f32 to vector<16xf32>
      %max3A_121 = arith.maximumf %add3A_119, %max3A_120 : vector<16xf32>
      %swap3A = arith.index_cast %add3A_106 : i32 to index
      %swap3A_122 = arith.constant 0 : index
      %swap3A_123 = tpu.vector_load %arg10[%swap3A, %swap3A_122] {strides = array<i32>} : memref<80x128xf32, #tpu.memory_space<vmem>>, vector<1x16xf32>,
      %swap3A_124 = vector.shape_cast %swap3A_123 : vector<1x16xf32> to vector<16xf32>
      %swap3A_125 = vector.shape_cast %max3A_121 : vector<16xf32> to vector<1x16xf32>
      tpu.vector_store %arg10[%swap3A, %swap3A_122], %swap3A_125 {strides = array<i32>} : memref<80x128xf32, #tpu.memory_space<vmem>>, vector<1x16xf32>,
      %get3A_126 = arith.index_cast %add3A_106 : i32 to index
      %get3A_127 = arith.constant 64 : index
      %get3A_128 = tpu.vector_load %arg10[%get3A_126, %get3A_127] {strides = array<i32>} : memref<80x128xf32, #tpu.memory_space<vmem>>, vector<1x16xf32>,
      %get3A_129 = vector.shape_cast %get3A_128 : vector<1x16xf32> to vector<16xf32>
      %add3A_130 = arith.addf %get3A_129, %bitcast_convert_type3A_114 : vector<16xf32>
      %max3A_131 = arith.constant 0.000000e+00 : f32
      %max3A_132 = vector.broadcast %max3A_131 : f32 to vector<16xf32>
      %max3A_133 = arith.maximumf %add3A_130, %max3A_132 : vector<16xf32>
      %swap3A_134 = arith.index_cast %add3A_106 : i32 to index
      %swap3A_135 = arith.constant 64 : index
      %swap3A_136 = tpu.vector_load %arg10[%swap3A_134, %swap3A_135] {strides = array<i32>} : memref<80x128xf32, #tpu.memory_space<vmem>>, vector<1x16xf32>,
      %swap3A_137 = vector.shape_cast %swap3A_136 : vector<1x16xf32> to vector<16xf32>
      %swap3A_138 = vector.shape_cast %max3A_133 : vector<16xf32> to vector<1x16xf32>
      tpu.vector_store %arg10[%swap3A_134, %swap3A_135], %swap3A_138 {strides = array<i32>} : memref<80x128xf32, #tpu.memory_space<vmem>>, vector<1x16xf32>,
      %get3A_139 = arith.index_cast %scan3A_104 : i32 to index
      %get3A_140 = arith.constant 16 : index
      %get3A_141 = tpu.vector_load %arg12[%get3A_139, %get3A_140] {strides = array<i32>} : memref<40x128xi32, #tpu.memory_space<vmem>>, vector<1x16xi32>,
      %get3A_142 = vector.shape_cast %get3A_141 : vector<1x16xi32> to vector<16xi32>
      %shift_left3A_143 = arith.constant 16 : i32
      %shift_left3A_144 = vector.broadcast %shift_left3A_143 : i32 to vector<16xi32>
      %shift_left3A_145 = arith.shli %get3A_142, %shift_left3A_144 : vector<16xi32>
      %bitcast_convert_type3A_146 = tpu.bitcast %shift_left3A_145 : vector<16xi32> -> vector<16xf32>
      %and3A_147 = arith.constant -65536 : i32
      %and3A_148 = vector.broadcast %and3A_147 : i32 to vector<16xi32>
      %and3A_149 = arith.andi %get3A_142, %and3A_148 : vector<16xi32>
      %bitcast_convert_type3A_150 = tpu.bitcast %and3A_149 : vector<16xi32> -> vector<16xf32>
      %get3A_151 = arith.index_cast %add3A_106 : i32 to index
      %get3A_152 = arith.constant 16 : index
      %get3A_153 = tpu.vector_load %arg10[%get3A_151, %get3A_152] {strides = array<i32>} : memref<80x128xf32, #tpu.memory_space<vmem>>, vector<1x16xf32>,
      %get3A_154 = vector.shape_cast %get3A_153 : vector<1x16xf32> to vector<16xf32>
      %add3A_155 = arith.addf %get3A_154, %bitcast_convert_type3A_146 : vector<16xf32>
      %max3A_156 = arith.constant 0.000000e+00 : f32
      %max3A_157 = vector.broadcast %max3A_156 : f32 to vector<16xf32>
      %max3A_158 = arith.maximumf %add3A_155, %max3A_157 : vector<16xf32>
      %swap3A_159 = arith.index_cast %add3A_106 : i32 to index
      %swap3A_160 = arith.constant 16 : index
      %swap3A_161 = tpu.vector_load %arg10[%swap3A_159, %swap3A_160] {strides = array<i32>} : memref<80x128xf32, #tpu.memory_space<vmem>>, vector<1x16xf32>,
      %swap3A_162 = vector.shape_cast %swap3A_161 : vector<1x16xf32> to vector<16xf32>
      %swap3A_163 = vector.shape_cast %max3A_158 : vector<16xf32> to vector<1x16xf32>
      tpu.vector_store %arg10[%swap3A_159, %swap3A_160], %swap3A_163 {strides = array<i32>} : memref<80x128xf32, #tpu.memory_space<vmem>>, vector<1x16xf32>,
      %get3A_164 = arith.index_cast %add3A_106 : i32 to index
      %get3A_165 = arith.constant 80 : index
      %get3A_166 = tpu.vector_load %arg10[%get3A_164, %get3A_165] {strides = array<i32>} : memref<80x128xf32, #tpu.memory_space<vmem>>, vector<1x16xf32>,
      %get3A_167 = vector.shape_cast %get3A_166 : vector<1x16xf32> to vector<16xf32>
      %add3A_168 = arith.addf %get3A_167, %bitcast_convert_type3A_150 : vector<16xf32>
      %max3A_169 = arith.constant 0.000000e+00 : f32
      %max3A_170 = vector.broadcast %max3A_169 : f32 to vector<16xf32>
      %max3A_171 = arith.maximumf %add3A_168, %max3A_170 : vector<16xf32>
      %swap3A_172 = arith.index_cast %add3A_106 : i32 to index
      %swap3A_173 = arith.constant 80 : index
      %swap3A_174 = tpu.vector_load %arg10[%swap3A_172, %swap3A_173] {strides = array<i32>} : memref<80x128xf32, #tpu.memory_space<vmem>>, vector<1x16xf32>,
      %swap3A_175 = vector.shape_cast %swap3A_174 : vector<1x16xf32> to vector<16xf32>
      %swap3A_176 = vector.shape_cast %max3A_171 : vector<16xf32> to vector<1x16xf32>
      tpu.vector_store %arg10[%swap3A_172, %swap3A_173], %swap3A_176 {strides = array<i32>} : memref<80x128xf32, #tpu.memory_space<vmem>>, vector<1x16xf32>,
      %get3A_177 = arith.index_cast %scan3A_104 : i32 to index
      %get3A_178 = arith.constant 32 : index
      %get3A_179 = tpu.vector_load %arg12[%get3A_177, %get3A_178] {strides = array<i32>} : memref<40x128xi32, #tpu.memory_space<vmem>>, vector<1x16xi32>,
      %get3A_180 = vector.shape_cast %get3A_179 : vector<1x16xi32> to vector<16xi32>
      %shift_left3A_181 = arith.constant 16 : i32
      %shift_left3A_182 = vector.broadcast %shift_left3A_181 : i32 to vector<16xi32>
      %shift_left3A_183 = arith.shli %get3A_180, %shift_left3A_182 : vector<16xi32>
      %bitcast_convert_type3A_184 = tpu.bitcast %shift_left3A_183 : vector<16xi32> -> vector<16xf32>
      %and3A_185 = arith.constant -65536 : i32
      %and3A_186 = vector.broadcast %and3A_185 : i32 to vector<16xi32>
      %and3A_187 = arith.andi %get3A_180, %and3A_186 : vector<16xi32>
      %bitcast_convert_type3A_188 = tpu.bitcast %and3A_187 : vector<16xi32> -> vector<16xf32>
      %get3A_189 = arith.index_cast %add3A_106 : i32 to index
      %get3A_190 = arith.constant 32 : index
      %get3A_191 = tpu.vector_load %arg10[%get3A_189, %get3A_190] {strides = array<i32>} : memref<80x128xf32, #tpu.memory_space<vmem>>, vector<1x16xf32>,
      %get3A_192 = vector.shape_cast %get3A_191 : vector<1x16xf32> to vector<16xf32>
      %add3A_193 = arith.addf %get3A_192, %bitcast_convert_type3A_184 : vector<16xf32>
      %max3A_194 = arith.constant 0.000000e+00 : f32
      %max3A_195 = vector.broadcast %max3A_194 : f32 to vector<16xf32>
      %max3A_196 = arith.maximumf %add3A_193, %max3A_195 : vector<16xf32>
      %swap3A_197 = arith.index_cast %add3A_106 : i32 to index
      %swap3A_198 = arith.constant 32 : index
      %swap3A_199 = tpu.vector_load %arg10[%swap3A_197, %swap3A_198] {strides = array<i32>} : memref<80x128xf32, #tpu.memory_space<vmem>>, vector<1x16xf32>,
      %swap3A_200 = vector.shape_cast %swap3A_199 : vector<1x16xf32> to vector<16xf32>
      %swap3A_201 = vector.shape_cast %max3A_196 : vector<16xf32> to vector<1x16xf32>
      tpu.vector_store %arg10[%swap3A_197, %swap3A_198], %swap3A_201 {strides = array<i32>} : memref<80x128xf32, #tpu.memory_space<vmem>>, vector<1x16xf32>,
      %get3A_202 = arith.index_cast %add3A_106 : i32 to index
      %get3A_203 = arith.constant 96 : index
      %get3A_204 = tpu.vector_load %arg10[%get3A_202, %get3A_203] {strides = array<i32>} : memref<80x128xf32, #tpu.memory_space<vmem>>, vector<1x16xf32>,
      %get3A_205 = vector.shape_cast %get3A_204 : vector<1x16xf32> to vector<16xf32>
      %add3A_206 = arith.addf %get3A_205, %bitcast_convert_type3A_188 : vector<16xf32>
      %max3A_207 = arith.constant 0.000000e+00 : f32
      %max3A_208 = vector.broadcast %max3A_207 : f32 to vector<16xf32>
      %max3A_209 = arith.maximumf %add3A_206, %max3A_208 : vector<16xf32>
      %swap3A_210 = arith.index_cast %add3A_106 : i32 to index
      %swap3A_211 = arith.constant 96 : index
      %swap3A_212 = tpu.vector_load %arg10[%swap3A_210, %swap3A_211] {strides = array<i32>} : memref<80x128xf32, #tpu.memory_space<vmem>>, vector<1x16xf32>,
      %swap3A_213 = vector.shape_cast %swap3A_212 : vector<1x16xf32> to vector<16xf32>
      %swap3A_214 = vector.shape_cast %max3A_209 : vector<16xf32> to vector<1x16xf32>
      tpu.vector_store %arg10[%swap3A_210, %swap3A_211], %swap3A_214 {strides = array<i32>} : memref<80x128xf32, #tpu.memory_space<vmem>>, vector<1x16xf32>,
      %get3A_215 = arith.index_cast %scan3A_104 : i32 to index
      %get3A_216 = arith.constant 48 : index
      %get3A_217 = tpu.vector_load %arg12[%get3A_215, %get3A_216] {strides = array<i32>} : memref<40x128xi32, #tpu.memory_space<vmem>>, vector<1x16xi32>,
      %get3A_218 = vector.shape_cast %get3A_217 : vector<1x16xi32> to vector<16xi32>
      %shift_left3A_219 = arith.constant 16 : i32
      %shift_left3A_220 = vector.broadcast %shift_left3A_219 : i32 to vector<16xi32>
      %shift_left3A_221 = arith.shli %get3A_218, %shift_left3A_220 : vector<16xi32>
      %bitcast_convert_type3A_222 = tpu.bitcast %shift_left3A_221 : vector<16xi32> -> vector<16xf32>
      %and3A_223 = arith.constant -65536 : i32
      %and3A_224 = vector.broadcast %and3A_223 : i32 to vector<16xi32>
      %and3A_225 = arith.andi %get3A_218, %and3A_224 : vector<16xi32>
      %bitcast_convert_type3A_226 = tpu.bitcast %and3A_225 : vector<16xi32> -> vector<16xf32>
      %get3A_227 = arith.index_cast %add3A_106 : i32 to index
      %get3A_228 = arith.constant 48 : index
      %get3A_229 = tpu.vector_load %arg10[%get3A_227, %get3A_228] {strides = array<i32>} : memref<80x128xf32, #tpu.memory_space<vmem>>, vector<1x16xf32>,
      %get3A_230 = vector.shape_cast %get3A_229 : vector<1x16xf32> to vector<16xf32>
      %add3A_231 = arith.addf %get3A_230, %bitcast_convert_type3A_222 : vector<16xf32>
      %max3A_232 = arith.constant 0.000000e+00 : f32
      %max3A_233 = vector.broadcast %max3A_232 : f32 to vector<16xf32>
      %max3A_234 = arith.maximumf %add3A_231, %max3A_233 : vector<16xf32>
      %swap3A_235 = arith.index_cast %add3A_106 : i32 to index
      %swap3A_236 = arith.constant 48 : index
      %swap3A_237 = tpu.vector_load %arg10[%swap3A_235, %swap3A_236] {strides = array<i32>} : memref<80x128xf32, #tpu.memory_space<vmem>>, vector<1x16xf32>,
      %swap3A_238 = vector.shape_cast %swap3A_237 : vector<1x16xf32> to vector<16xf32>
      %swap3A_239 = vector.shape_cast %max3A_234 : vector<16xf32> to vector<1x16xf32>
      tpu.vector_store %arg10[%swap3A_235, %swap3A_236], %swap3A_239 {strides = array<i32>} : memref<80x128xf32, #tpu.memory_space<vmem>>, vector<1x16xf32>,
      %get3A_240 = arith.index_cast %add3A_106 : i32 to index
      %get3A_241 = arith.constant 112 : index
      %get3A_242 = tpu.vector_load %arg10[%get3A_240, %get3A_241] {strides = array<i32>} : memref<80x128xf32, #tpu.memory_space<vmem>>, vector<1x16xf32>,
      %get3A_243 = vector.shape_cast %get3A_242 : vector<1x16xf32> to vector<16xf32>
      %add3A_244 = arith.addf %get3A_243, %bitcast_convert_type3A_226 : vector<16xf32>
      %max3A_245 = arith.constant 0.000000e+00 : f32
      %max3A_246 = vector.broadcast %max3A_245 : f32 to vector<16xf32>
      %max3A_247 = arith.maximumf %add3A_244, %max3A_246 : vector<16xf32>
      %swap3A_248 = arith.index_cast %add3A_106 : i32 to index
      %swap3A_249 = arith.constant 112 : index
      %swap3A_250 = tpu.vector_load %arg10[%swap3A_248, %swap3A_249] {strides = array<i32>} : memref<80x128xf32, #tpu.memory_space<vmem>>, vector<1x16xf32>,
      %swap3A_251 = vector.shape_cast %swap3A_250 : vector<1x16xf32> to vector<16xf32>
      %swap3A_252 = vector.shape_cast %max3A_247 : vector<16xf32> to vector<1x16xf32>
      tpu.vector_store %arg10[%swap3A_248, %swap3A_249], %swap3A_252 {strides = array<i32>} : memref<80x128xf32, #tpu.memory_space<vmem>>, vector<1x16xf32>,
      %add3A_253 = arith.constant 40 : i32
      %add3A_254 = arith.addi %scan3A_104, %add3A_253 : i32
      %get3A_255 = arith.index_cast %scan3A_104 : i32 to index
      %get3A_256 = arith.constant 64 : index
      %get3A_257 = tpu.vector_load %arg12[%get3A_255, %get3A_256] {strides = array<i32>} : memref<40x128xi32, #tpu.memory_space<vmem>>, vector<1x16xi32>,
      %get3A_258 = vector.shape_cast %get3A_257 : vector<1x16xi32> to vector<16xi32>
      %shift_left3A_259 = arith.constant 16 : i32
      %shift_left3A_260 = vector.broadcast %shift_left3A_259 : i32 to vector<16xi32>
      %shift_left3A_261 = arith.shli %get3A_258, %shift_left3A_260 : vector<16xi32>
      %bitcast_convert_type3A_262 = tpu.bitcast %shift_left3A_261 : vector<16xi32> -> vector<16xf32>
      %and3A_263 = arith.constant -65536 : i32
      %and3A_264 = vector.broadcast %and3A_263 : i32 to vector<16xi32>
      %and3A_265 = arith.andi %get3A_258, %and3A_264 : vector<16xi32>
      %bitcast_convert_type3A_266 = tpu.bitcast %and3A_265 : vector<16xi32> -> vector<16xf32>
      %get3A_267 = arith.index_cast %add3A_254 : i32 to index
      %get3A_268 = arith.constant 0 : index
      %get3A_269 = tpu.vector_load %arg10[%get3A_267, %get3A_268] {strides = array<i32>} : memref<80x128xf32, #tpu.memory_space<vmem>>, vector<1x16xf32>,
      %get3A_270 = vector.shape_cast %get3A_269 : vector<1x16xf32> to vector<16xf32>
      %add3A_271 = arith.addf %get3A_270, %bitcast_convert_type3A_262 : vector<16xf32>
      %max3A_272 = arith.constant 0.000000e+00 : f32
      %max3A_273 = vector.broadcast %max3A_272 : f32 to vector<16xf32>
      %max3A_274 = arith.maximumf %add3A_271, %max3A_273 : vector<16xf32>
      %swap3A_275 = arith.index_cast %add3A_254 : i32 to index
      %swap3A_276 = arith.constant 0 : index
      %swap3A_277 = tpu.vector_load %arg10[%swap3A_275, %swap3A_276] {strides = array<i32>} : memref<80x128xf32, #tpu.memory_space<vmem>>, vector<1x16xf32>,
      %swap3A_278 = vector.shape_cast %swap3A_277 : vector<1x16xf32> to vector<16xf32>
      %swap3A_279 = vector.shape_cast %max3A_274 : vector<16xf32> to vector<1x16xf32>
      tpu.vector_store %arg10[%swap3A_275, %swap3A_276], %swap3A_279 {strides = array<i32>} : memref<80x128xf32, #tpu.memory_space<vmem>>, vector<1x16xf32>,
      %get3A_280 = arith.index_cast %add3A_254 : i32 to index
      %get3A_281 = arith.constant 64 : index
      %get3A_282 = tpu.vector_load %arg10[%get3A_280, %get3A_281] {strides = array<i32>} : memref<80x128xf32, #tpu.memory_space<vmem>>, vector<1x16xf32>,
      %get3A_283 = vector.shape_cast %get3A_282 : vector<1x16xf32> to vector<16xf32>
      %add3A_284 = arith.addf %get3A_283, %bitcast_convert_type3A_266 : vector<16xf32>
      %max3A_285 = arith.constant 0.000000e+00 : f32
      %max3A_286 = vector.broadcast %max3A_285 : f32 to vector<16xf32>
      %max3A_287 = arith.maximumf %add3A_284, %max3A_286 : vector<16xf32>
      %swap3A_288 = arith.index_cast %add3A_254 : i32 to index
      %swap3A_289 = arith.constant 64 : index
      %swap3A_290 = tpu.vector_load %arg10[%swap3A_288, %swap3A_289] {strides = array<i32>} : memref<80x128xf32, #tpu.memory_space<vmem>>, vector<1x16xf32>,
      %swap3A_291 = vector.shape_cast %swap3A_290 : vector<1x16xf32> to vector<16xf32>
      %swap3A_292 = vector.shape_cast %max3A_287 : vector<16xf32> to vector<1x16xf32>
      tpu.vector_store %arg10[%swap3A_288, %swap3A_289], %swap3A_292 {strides = array<i32>} : memref<80x128xf32, #tpu.memory_space<vmem>>, vector<1x16xf32>,
      %get3A_293 = arith.index_cast %scan3A_104 : i32 to index
      %get3A_294 = arith.constant 80 : index
      %get3A_295 = tpu.vector_load %arg12[%get3A_293, %get3A_294] {strides = array<i32>} : memref<40x128xi32, #tpu.memory_space<vmem>>, vector<1x16xi32>,
      %get3A_296 = vector.shape_cast %get3A_295 : vector<1x16xi32> to vector<16xi32>
      %shift_left3A_297 = arith.constant 16 : i32
      %shift_left3A_298 = vector.broadcast %shift_left3A_297 : i32 to vector<16xi32>
      %shift_left3A_299 = arith.shli %get3A_296, %shift_left3A_298 : vector<16xi32>
      %bitcast_convert_type3A_300 = tpu.bitcast %shift_left3A_299 : vector<16xi32> -> vector<16xf32>
      %and3A_301 = arith.constant -65536 : i32
      %and3A_302 = vector.broadcast %and3A_301 : i32 to vector<16xi32>
      %and3A_303 = arith.andi %get3A_296, %and3A_302 : vector<16xi32>
      %bitcast_convert_type3A_304 = tpu.bitcast %and3A_303 : vector<16xi32> -> vector<16xf32>
      %get3A_305 = arith.index_cast %add3A_254 : i32 to index
      %get3A_306 = arith.constant 16 : index
      %get3A_307 = tpu.vector_load %arg10[%get3A_305, %get3A_306] {strides = array<i32>} : memref<80x128xf32, #tpu.memory_space<vmem>>, vector<1x16xf32>,
      %get3A_308 = vector.shape_cast %get3A_307 : vector<1x16xf32> to vector<16xf32>
      %add3A_309 = arith.addf %get3A_308, %bitcast_convert_type3A_300 : vector<16xf32>
      %max3A_310 = arith.constant 0.000000e+00 : f32
      %max3A_311 = vector.broadcast %max3A_310 : f32 to vector<16xf32>
      %max3A_312 = arith.maximumf %add3A_309, %max3A_311 : vector<16xf32>
      %swap3A_313 = arith.index_cast %add3A_254 : i32 to index
      %swap3A_314 = arith.constant 16 : index
      %swap3A_315 = tpu.vector_load %arg10[%swap3A_313, %swap3A_314] {strides = array<i32>} : memref<80x128xf32, #tpu.memory_space<vmem>>, vector<1x16xf32>,
      %swap3A_316 = vector.shape_cast %swap3A_315 : vector<1x16xf32> to vector<16xf32>
      %swap3A_317 = vector.shape_cast %max3A_312 : vector<16xf32> to vector<1x16xf32>
      tpu.vector_store %arg10[%swap3A_313, %swap3A_314], %swap3A_317 {strides = array<i32>} : memref<80x128xf32, #tpu.memory_space<vmem>>, vector<1x16xf32>,
      %get3A_318 = arith.index_cast %add3A_254 : i32 to index
      %get3A_319 = arith.constant 80 : index
      %get3A_320 = tpu.vector_load %arg10[%get3A_318, %get3A_319] {strides = array<i32>} : memref<80x128xf32, #tpu.memory_space<vmem>>, vector<1x16xf32>,
      %get3A_321 = vector.shape_cast %get3A_320 : vector<1x16xf32> to vector<16xf32>
      %add3A_322 = arith.addf %get3A_321, %bitcast_convert_type3A_304 : vector<16xf32>
      %max3A_323 = arith.constant 0.000000e+00 : f32
      %max3A_324 = vector.broadcast %max3A_323 : f32 to vector<16xf32>
      %max3A_325 = arith.maximumf %add3A_322, %max3A_324 : vector<16xf32>
      %swap3A_326 = arith.index_cast %add3A_254 : i32 to index
      %swap3A_327 = arith.constant 80 : index
      %swap3A_328 = tpu.vector_load %arg10[%swap3A_326, %swap3A_327] {strides = array<i32>} : memref<80x128xf32, #tpu.memory_space<vmem>>, vector<1x16xf32>,
      %swap3A_329 = vector.shape_cast %swap3A_328 : vector<1x16xf32> to vector<16xf32>
      %swap3A_330 = vector.shape_cast %max3A_325 : vector<16xf32> to vector<1x16xf32>
      tpu.vector_store %arg10[%swap3A_326, %swap3A_327], %swap3A_330 {strides = array<i32>} : memref<80x128xf32, #tpu.memory_space<vmem>>, vector<1x16xf32>,
      %get3A_331 = arith.index_cast %scan3A_104 : i32 to index
      %get3A_332 = arith.constant 96 : index
      %get3A_333 = tpu.vector_load %arg12[%get3A_331, %get3A_332] {strides = array<i32>} : memref<40x128xi32, #tpu.memory_space<vmem>>, vector<1x16xi32>,
      %get3A_334 = vector.shape_cast %get3A_333 : vector<1x16xi32> to vector<16xi32>
      %shift_left3A_335 = arith.constant 16 : i32
      %shift_left3A_336 = vector.broadcast %shift_left3A_335 : i32 to vector<16xi32>
      %shift_left3A_337 = arith.shli %get3A_334, %shift_left3A_336 : vector<16xi32>
      %bitcast_convert_type3A_338 = tpu.bitcast %shift_left3A_337 : vector<16xi32> -> vector<16xf32>
      %and3A_339 = arith.constant -65536 : i32
      %and3A_340 = vector.broadcast %and3A_339 : i32 to vector<16xi32>
      %and3A_341 = arith.andi %get3A_334, %and3A_340 : vector<16xi32>
      %bitcast_convert_type3A_342 = tpu.bitcast %and3A_341 : vector<16xi32> -> vector<16xf32>
      %get3A_343 = arith.index_cast %add3A_254 : i32 to index
      %get3A_344 = arith.constant 32 : index
      %get3A_345 = tpu.vector_load %arg10[%get3A_343, %get3A_344] {strides = array<i32>} : memref<80x128xf32, #tpu.memory_space<vmem>>, vector<1x16xf32>,
      %get3A_346 = vector.shape_cast %get3A_345 : vector<1x16xf32> to vector<16xf32>
      %add3A_347 = arith.addf %get3A_346, %bitcast_convert_type3A_338 : vector<16xf32>
      %max3A_348 = arith.constant 0.000000e+00 : f32
      %max3A_349 = vector.broadcast %max3A_348 : f32 to vector<16xf32>
      %max3A_350 = arith.maximumf %add3A_347, %max3A_349 : vector<16xf32>
      %swap3A_351 = arith.index_cast %add3A_254 : i32 to index
      %swap3A_352 = arith.constant 32 : index
      %swap3A_353 = tpu.vector_load %arg10[%swap3A_351, %swap3A_352] {strides = array<i32>} : memref<80x128xf32, #tpu.memory_space<vmem>>, vector<1x16xf32>,
      %swap3A_354 = vector.shape_cast %swap3A_353 : vector<1x16xf32> to vector<16xf32>
      %swap3A_355 = vector.shape_cast %max3A_350 : vector<16xf32> to vector<1x16xf32>
      tpu.vector_store %arg10[%swap3A_351, %swap3A_352], %swap3A_355 {strides = array<i32>} : memref<80x128xf32, #tpu.memory_space<vmem>>, vector<1x16xf32>,
      %get3A_356 = arith.index_cast %add3A_254 : i32 to index
      %get3A_357 = arith.constant 96 : index
      %get3A_358 = tpu.vector_load %arg10[%get3A_356, %get3A_357] {strides = array<i32>} : memref<80x128xf32, #tpu.memory_space<vmem>>, vector<1x16xf32>,
      %get3A_359 = vector.shape_cast %get3A_358 : vector<1x16xf32> to vector<16xf32>
      %add3A_360 = arith.addf %get3A_359, %bitcast_convert_type3A_342 : vector<16xf32>
      %max3A_361 = arith.constant 0.000000e+00 : f32
      %max3A_362 = vector.broadcast %max3A_361 : f32 to vector<16xf32>
      %max3A_363 = arith.maximumf %add3A_360, %max3A_362 : vector<16xf32>
      %swap3A_364 = arith.index_cast %add3A_254 : i32 to index
      %swap3A_365 = arith.constant 96 : index
      %swap3A_366 = tpu.vector_load %arg10[%swap3A_364, %swap3A_365] {strides = array<i32>} : memref<80x128xf32, #tpu.memory_space<vmem>>, vector<1x16xf32>,
      %swap3A_367 = vector.shape_cast %swap3A_366 : vector<1x16xf32> to vector<16xf32>
      %swap3A_368 = vector.shape_cast %max3A_363 : vector<16xf32> to vector<1x16xf32>
      tpu.vector_store %arg10[%swap3A_364, %swap3A_365], %swap3A_368 {strides = array<i32>} : memref<80x128xf32, #tpu.memory_space<vmem>>, vector<1x16xf32>,
      %get3A_369 = arith.index_cast %scan3A_104 : i32 to index
      %get3A_370 = arith.constant 112 : index
      %get3A_371 = tpu.vector_load %arg12[%get3A_369, %get3A_370] {strides = array<i32>} : memref<40x128xi32, #tpu.memory_space<vmem>>, vector<1x16xi32>,
      %get3A_372 = vector.shape_cast %get3A_371 : vector<1x16xi32> to vector<16xi32>
      %shift_left3A_373 = arith.constant 16 : i32
      %shift_left3A_374 = vector.broadcast %shift_left3A_373 : i32 to vector<16xi32>
      %shift_left3A_375 = arith.shli %get3A_372, %shift_left3A_374 : vector<16xi32>
      %bitcast_convert_type3A_376 = tpu.bitcast %shift_left3A_375 : vector<16xi32> -> vector<16xf32>
      %and3A_377 = arith.constant -65536 : i32
      %and3A_378 = vector.broadcast %and3A_377 : i32 to vector<16xi32>
      %and3A_379 = arith.andi %get3A_372, %and3A_378 : vector<16xi32>
      %bitcast_convert_type3A_380 = tpu.bitcast %and3A_379 : vector<16xi32> -> vector<16xf32>
      %get3A_381 = arith.index_cast %add3A_254 : i32 to index
      %get3A_382 = arith.constant 48 : index
      %get3A_383 = tpu.vector_load %arg10[%get3A_381, %get3A_382] {strides = array<i32>} : memref<80x128xf32, #tpu.memory_space<vmem>>, vector<1x16xf32>,
      %get3A_384 = vector.shape_cast %get3A_383 : vector<1x16xf32> to vector<16xf32>
      %add3A_385 = arith.addf %get3A_384, %bitcast_convert_type3A_376 : vector<16xf32>
      %max3A_386 = arith.constant 0.000000e+00 : f32
      %max3A_387 = vector.broadcast %max3A_386 : f32 to vector<16xf32>
      %max3A_388 = arith.maximumf %add3A_385, %max3A_387 : vector<16xf32>
      %swap3A_389 = arith.index_cast %add3A_254 : i32 to index
      %swap3A_390 = arith.constant 48 : index
      %swap3A_391 = tpu.vector_load %arg10[%swap3A_389, %swap3A_390] {strides = array<i32>} : memref<80x128xf32, #tpu.memory_space<vmem>>, vector<1x16xf32>,
      %swap3A_392 = vector.shape_cast %swap3A_391 : vector<1x16xf32> to vector<16xf32>
      %swap3A_393 = vector.shape_cast %max3A_388 : vector<16xf32> to vector<1x16xf32>
      tpu.vector_store %arg10[%swap3A_389, %swap3A_390], %swap3A_393 {strides = array<i32>} : memref<80x128xf32, #tpu.memory_space<vmem>>, vector<1x16xf32>,
      %get3A_394 = arith.index_cast %add3A_254 : i32 to index
      %get3A_395 = arith.constant 112 : index
      %get3A_396 = tpu.vector_load %arg10[%get3A_394, %get3A_395] {strides = array<i32>} : memref<80x128xf32, #tpu.memory_space<vmem>>, vector<1x16xf32>,
      %get3A_397 = vector.shape_cast %get3A_396 : vector<1x16xf32> to vector<16xf32>
      %add3A_398 = arith.addf %get3A_397, %bitcast_convert_type3A_380 : vector<16xf32>
      %max3A_399 = arith.constant 0.000000e+00 : f32
      %max3A_400 = vector.broadcast %max3A_399 : f32 to vector<16xf32>
      %max3A_401 = arith.maximumf %add3A_398, %max3A_400 : vector<16xf32>
      %swap3A_402 = arith.index_cast %add3A_254 : i32 to index
      %swap3A_403 = arith.constant 112 : index
      %swap3A_404 = tpu.vector_load %arg10[%swap3A_402, %swap3A_403] {strides = array<i32>} : memref<80x128xf32, #tpu.memory_space<vmem>>, vector<1x16xf32>,
      %swap3A_405 = vector.shape_cast %swap3A_404 : vector<1x16xf32> to vector<16xf32>
      %swap3A_406 = vector.shape_cast %max3A_401 : vector<16xf32> to vector<1x16xf32>
      tpu.vector_store %arg10[%swap3A_402, %swap3A_403], %swap3A_406 {strides = array<i32>} : memref<80x128xf32, #tpu.memory_space<vmem>>, vector<1x16xf32>,
    }
    %scan3A_81 = arith.constant 40 : i32
    %dma_start3A_82 = arith.constant 0 : i32
    %dma_start3A_83 = arith.constant 0 : i32
    %dma_start3A_84 = tpu.memref_slice %arg14[%dma_start3A_82, %dma_start3A_83] : memref<10000x128xf32, #tpu.memory_space<vmem_shared>> -> memref<10000x128xf32, #tpu.memory_space<vmem_shared>>
    tpu.enqueue_indirect_dma source(%arg10 : memref<80x128xf32, #tpu.memory_space<vmem>>) target(%dma_start3A_84 : memref<10000x128xf32, #tpu.memory_space<vmem_shared>>) offsets(%arg8 : memref<80xi32, #tpu.memory_space<vmem>>) semaphore(%arg23 : memref<!tpu.dma_semaphore, #tpu.memory_space<semaphore_mem>>) {add = true}
    %dma_wait3A_85 = arith.constant 0 : i32
    %dma_wait3A_86 = arith.constant 0 : i32
    %dma_wait3A_87 = tpu.memref_slice %arg14[%dma_wait3A_85, %dma_wait3A_86] : memref<10000x128xf32, #tpu.memory_space<vmem_shared>> -> memref<10000x128xf32, #tpu.memory_space<vmem_shared>>
    tpu.wait_indirect_dma semaphore(%arg23 : memref<!tpu.dma_semaphore, #tpu.memory_space<semaphore_mem>>) src(%arg10 : memref<80x128xf32, #tpu.memory_space<vmem>>) dst(%dma_wait3A_87 : memref<10000x128xf32, #tpu.memory_space<vmem_shared>>)
    %barrier3A_88 = arith.constant 0 : index
    tpu.barrier barrier_id(%barrier3A_88)
    %eq3A_89 = arith.constant 15 : i32
    %eq3A_90 = arith.cmpi eq, %arg1, %eq3A_89 : i32
    %jit3A_91 = arith.constant 5 : i32
    %jit3A_92 = arith.constant 8 : i32
    %select_n3A_93 = arith.select %eq3A_90, %jit3A_91, %jit3A_92 : i32
    %while3A_94 = arith.constant 0 : i32
    %while3A_95 = arith.constant 0 : i32
    %while3A_96 = arith.subi %select_n3A_93, %while3A_95 : i32
    %while3A_97 = arith.addi %while3A_95, %while3A_96 : i32
    %while3A_98 = arith.constant 1 : i32
    %while3A_99 = arith.divsi %while3A_96, %while3A_98 : i32
    %while3A_100 = arith.muli %while3A_99, %while3A_98 : i32
    %while3A_101 = arith.addi %while3A_95, %while3A_100 : i32
    %while3A_102 = arith.constant 1 : i32
    scf.for %while3A_104 = %while3A_95 to %while3A_101 step %while3A_102  : i32 {
      %mul3A_105 = arith.constant 640 : i32
      %mul3A_106 = arith.muli %arg1, %mul3A_105 : i32
      %mul3A_107 = arith.constant 80 : i32
      %mul3A_108 = arith.muli %while3A_104, %mul3A_107 : i32
      %add3A_109 = arith.addi %mul3A_106, %mul3A_108 : i32
      "tpu.region"() ({
        %run_scoped3A = tpu.sem_alloc : memref<!tpu.dma_semaphore, #tpu.memory_space<semaphore_mem>>
        %dma_start3A_110 = arith.constant 0 : i32
        %dma_start3A_111 = tpu.memref_slice %arg5[%arg0, %add3A_109, %dma_start3A_110] : memref<2x10000x128xf32, #tpu.memory_space<hbm>> -> memref<1x80x128xf32, #tpu.memory_space<hbm>>
        %dma_start3A_112 = tpu.memref_squeeze %dma_start3A_111 : memref<1x80x128xf32, #tpu.memory_space<hbm>> -> memref<80x128xf32, #tpu.memory_space<hbm>>
        %dma_start3A_113 = arith.constant 0 : i32
        %dma_start3A_114 = tpu.memref_slice %arg14[%add3A_109, %dma_start3A_113] : memref<10000x128xf32, #tpu.memory_space<vmem_shared>> -> memref<80x128xf32, #tpu.memory_space<vmem_shared>>
        tpu.enqueue_dma source(%dma_start3A_114 : memref<80x128xf32, #tpu.memory_space<vmem_shared>>) target(%dma_start3A_112 : memref<80x128xf32, #tpu.memory_space<hbm>>) target_semaphore(%run_scoped3A : memref<!tpu.dma_semaphore, #tpu.memory_space<semaphore_mem>>)
        %dma_wait3A_115 = arith.constant 0 : i32
        %dma_wait3A_116 = tpu.memref_slice %arg5[%arg0, %add3A_109, %dma_wait3A_115] : memref<2x10000x128xf32, #tpu.memory_space<hbm>> -> memref<1x80x128xf32, #tpu.memory_space<hbm>>
        %dma_wait3A_117 = tpu.memref_squeeze %dma_wait3A_116 : memref<1x80x128xf32, #tpu.memory_space<hbm>> -> memref<80x128xf32, #tpu.memory_space<hbm>>
        %dma_wait3A_118 = arith.constant 0 : i32
        %dma_wait3A_119 = tpu.memref_slice %arg14[%add3A_109, %dma_wait3A_118] : memref<10000x128xf32, #tpu.memory_space<vmem_shared>> -> memref<80x128xf32, #tpu.memory_space<vmem_shared>>
        tpu.wait_dma2 semaphore(%run_scoped3A : memref<!tpu.dma_semaphore, #tpu.memory_space<semaphore_mem>>) src(%dma_wait3A_119 : memref<80x128xf32, #tpu.memory_space<vmem_shared>>) dst(%dma_wait3A_117 : memref<80x128xf32, #tpu.memory_space<hbm>>)
        tpu.yield
      }) : () -> ()
    }
    %while3A_103 = arith.constant 1 : i32
    scf.for %while3A_104 = %while3A_101 to %while3A_97 step %while3A_103  : i32 {
      %mul3A_105 = arith.constant 640 : i32
      %mul3A_106 = arith.muli %arg1, %mul3A_105 : i32
      %mul3A_107 = arith.constant 80 : i32
      %mul3A_108 = arith.muli %while3A_104, %mul3A_107 : i32
      %add3A_109 = arith.addi %mul3A_106, %mul3A_108 : i32
      "tpu.region"() ({
        %run_scoped3A = tpu.sem_alloc : memref<!tpu.dma_semaphore, #tpu.memory_space<semaphore_mem>>
        %dma_start3A_110 = arith.constant 0 : i32
        %dma_start3A_111 = tpu.memref_slice %arg5[%arg0, %add3A_109, %dma_start3A_110] : memref<2x10000x128xf32, #tpu.memory_space<hbm>> -> memref<1x80x128xf32, #tpu.memory_space<hbm>>
        %dma_start3A_112 = tpu.memref_squeeze %dma_start3A_111 : memref<1x80x128xf32, #tpu.memory_space<hbm>> -> memref<80x128xf32, #tpu.memory_space<hbm>>
        %dma_start3A_113 = arith.constant 0 : i32
        %dma_start3A_114 = tpu.memref_slice %arg14[%add3A_109, %dma_start3A_113] : memref<10000x128xf32, #tpu.memory_space<vmem_shared>> -> memref<80x128xf32, #tpu.memory_space<vmem_shared>>
        tpu.enqueue_dma source(%dma_start3A_114 : memref<80x128xf32, #tpu.memory_space<vmem_shared>>) target(%dma_start3A_112 : memref<80x128xf32, #tpu.memory_space<hbm>>) target_semaphore(%run_scoped3A : memref<!tpu.dma_semaphore, #tpu.memory_space<semaphore_mem>>)
        %dma_wait3A_115 = arith.constant 0 : i32
        %dma_wait3A_116 = tpu.memref_slice %arg5[%arg0, %add3A_109, %dma_wait3A_115] : memref<2x10000x128xf32, #tpu.memory_space<hbm>> -> memref<1x80x128xf32, #tpu.memory_space<hbm>>
        %dma_wait3A_117 = tpu.memref_squeeze %dma_wait3A_116 : memref<1x80x128xf32, #tpu.memory_space<hbm>> -> memref<80x128xf32, #tpu.memory_space<hbm>>
        %dma_wait3A_118 = arith.constant 0 : i32
        %dma_wait3A_119 = tpu.memref_slice %arg14[%add3A_109, %dma_wait3A_118] : memref<10000x128xf32, #tpu.memory_space<vmem_shared>> -> memref<80x128xf32, #tpu.memory_space<vmem_shared>>
        tpu.wait_dma2 semaphore(%run_scoped3A : memref<!tpu.dma_semaphore, #tpu.memory_space<semaphore_mem>>) src(%dma_wait3A_119 : memref<80x128xf32, #tpu.memory_space<vmem_shared>>) dst(%dma_wait3A_117 : memref<80x128xf32, #tpu.memory_space<hbm>>)
        tpu.yield
      }) : () -> ()
    }
    return
  }
}

module attributes {stable_mosaic.version = 14 : i64} {
  func.func @_mm_pack_body(%arg0: i32, %arg1: memref<125x40x16xf32, #tpu.memory_space<vmem>>, %arg2: memref<125x40x16xf32, #tpu.memory_space<vmem>>, %arg3: memref<16x128xf32, #tpu.memory_space<vmem>>, %arg4: memref<5000x128xi32, #tpu.memory_space<vmem>>) attributes {dimension_semantics = [#tpu.dimension_semantics<arbitrary>], iteration_bounds = array<i64: 32>, scalar_prefetch = 0 : i64, scratch_operands = 0 : i64, tpu.core_type = #tpu.core_type<tc>, window_params = [{transform_indices = @transform_0, window_bounds = array<i64: 125, 40, 16>}, {transform_indices = @transform_1, window_bounds = array<i64: 125, 40, 16>}, {pipeline_mode = #tpu.pipeline_mode<synchronous>, transform_indices = @transform_2, window_bounds = array<i64: 16, 128>}, {transform_indices = @transform_3, window_bounds = array<i64: 5000, 128>}]} {
    %get3A = arith.constant 0 : index
    %get3A_0 = arith.constant 0 : index
    %get3A_1 = arith.constant 0 : index
    %get3A_2 = vector.load %arg1[%get3A, %get3A_0, %get3A_1] : memref<125x40x16xf32, #tpu.memory_space<vmem>>, vector<125x40x16xf32>
    %reshape3A = vector.shape_cast %get3A_2 : vector<125x40x16xf32> to vector<5000x16xf32>
    %get3A_3 = arith.constant 0 : index
    %get3A_4 = arith.constant 0 : index
    %get3A_5 = arith.constant 0 : index
    %get3A_6 = vector.load %arg2[%get3A_3, %get3A_4, %get3A_5] : memref<125x40x16xf32, #tpu.memory_space<vmem>>, vector<125x40x16xf32>
    %reshape3A_7 = vector.shape_cast %get3A_6 : vector<125x40x16xf32> to vector<5000x16xf32>
    %get3A_8 = arith.constant 0 : index
    %get3A_9 = arith.constant 0 : index
    %get3A_10 = vector.load %arg3[%get3A_8, %get3A_9] : memref<16x128xf32, #tpu.memory_space<vmem>>, vector<16x128xf32>
    %dot_general3A = arith.constant dense<0.000000e+00> : vector<5000x128xf32>
    %dot_general3A_11 = tpu.matmul %reshape3A, %get3A_10, %dot_general3A {dimension_numbers = #tpu.dot_dimension_numbers<[1], [0], [0], [1], [0, 0, 1, 1], [], []>, transpose_lhs_hint = false} : vector<5000x16xf32>, vector<16x128xf32>, vector<5000x128xf32> -> vector<5000x128xf32>
    %get3A_12 = arith.constant 0 : index
    %get3A_13 = arith.constant 0 : index
    %get3A_14 = vector.load %arg3[%get3A_12, %get3A_13] : memref<16x128xf32, #tpu.memory_space<vmem>>, vector<16x128xf32>
    %dot_general3A_15 = arith.constant dense<0.000000e+00> : vector<5000x128xf32>
    %dot_general3A_16 = tpu.matmul %reshape3A_7, %get3A_14, %dot_general3A_15 {dimension_numbers = #tpu.dot_dimension_numbers<[1], [0], [0], [1], [0, 0, 1, 1], [], []>, transpose_lhs_hint = false} : vector<5000x16xf32>, vector<16x128xf32>, vector<5000x128xf32> -> vector<5000x128xf32>
    %slice3A = vector.extract_strided_slice %dot_general3A_11 {offsets = [0, 0], sizes = [5000, 64], strides = [1, 1]} : vector<5000x128xf32> to vector<5000x64xf32>
    %slice3A_17 = vector.extract_strided_slice %dot_general3A_11 {offsets = [0, 64], sizes = [5000, 64], strides = [1, 1]} : vector<5000x128xf32> to vector<5000x64xf32>
    %convert_element_type3A = arith.truncf %slice3A : vector<5000x64xf32> to vector<5000x64xbf16>
    %convert_element_type3A_18 = arith.extf %convert_element_type3A : vector<5000x64xbf16> to vector<5000x64xf32>
    %bitcast_convert_type3A = tpu.bitcast %convert_element_type3A_18 : vector<5000x64xf32> -> vector<5000x64xi32>
    %shift_right_logical3A = arith.constant 16 : i32
    %shift_right_logical3A_19 = vector.broadcast %shift_right_logical3A : i32 to vector<5000x64xi32>
    %shift_right_logical3A_20 = arith.shrui %bitcast_convert_type3A, %shift_right_logical3A_19 : vector<5000x64xi32>
    %convert_element_type3A_21 = arith.truncf %slice3A_17 : vector<5000x64xf32> to vector<5000x64xbf16>
    %convert_element_type3A_22 = arith.extf %convert_element_type3A_21 : vector<5000x64xbf16> to vector<5000x64xf32>
    %bitcast_convert_type3A_23 = tpu.bitcast %convert_element_type3A_22 : vector<5000x64xf32> -> vector<5000x64xi32>
    %and3A = arith.constant -65536 : i32
    %and3A_24 = vector.broadcast %and3A : i32 to vector<5000x64xi32>
    %and3A_25 = arith.andi %bitcast_convert_type3A_23, %and3A_24 : vector<5000x64xi32>
    %or3A = arith.ori %shift_right_logical3A_20, %and3A_25 : vector<5000x64xi32>
    %bitcast_convert_type3A_26 = tpu.bitcast %or3A : vector<5000x64xi32> -> vector<5000x64xi32>
    %swap3A = arith.constant 0 : index
    %swap3A_27 = arith.constant 0 : index
    %swap3A_28 = vector.load %arg4[%swap3A, %swap3A_27] : memref<5000x128xi32, #tpu.memory_space<vmem>>, vector<5000x64xi32>
    tpu.vector_store %arg4[%swap3A, %swap3A_27], %bitcast_convert_type3A_26 {strides = array<i32>} : memref<5000x128xi32, #tpu.memory_space<vmem>>, vector<5000x64xi32>,
    %slice3A_29 = vector.extract_strided_slice %dot_general3A_16 {offsets = [0, 0], sizes = [5000, 64], strides = [1, 1]} : vector<5000x128xf32> to vector<5000x64xf32>
    %slice3A_30 = vector.extract_strided_slice %dot_general3A_16 {offsets = [0, 64], sizes = [5000, 64], strides = [1, 1]} : vector<5000x128xf32> to vector<5000x64xf32>
    %convert_element_type3A_31 = arith.truncf %slice3A_29 : vector<5000x64xf32> to vector<5000x64xbf16>
    %convert_element_type3A_32 = arith.extf %convert_element_type3A_31 : vector<5000x64xbf16> to vector<5000x64xf32>
    %bitcast_convert_type3A_33 = tpu.bitcast %convert_element_type3A_32 : vector<5000x64xf32> -> vector<5000x64xi32>
    %shift_right_logical3A_34 = arith.constant 16 : i32
    %shift_right_logical3A_35 = vector.broadcast %shift_right_logical3A_34 : i32 to vector<5000x64xi32>
    %shift_right_logical3A_36 = arith.shrui %bitcast_convert_type3A_33, %shift_right_logical3A_35 : vector<5000x64xi32>
    %convert_element_type3A_37 = arith.truncf %slice3A_30 : vector<5000x64xf32> to vector<5000x64xbf16>
    %convert_element_type3A_38 = arith.extf %convert_element_type3A_37 : vector<5000x64xbf16> to vector<5000x64xf32>
    %bitcast_convert_type3A_39 = tpu.bitcast %convert_element_type3A_38 : vector<5000x64xf32> -> vector<5000x64xi32>
    %and3A_40 = arith.constant -65536 : i32
    %and3A_41 = vector.broadcast %and3A_40 : i32 to vector<5000x64xi32>
    %and3A_42 = arith.andi %bitcast_convert_type3A_39, %and3A_41 : vector<5000x64xi32>
    %or3A_43 = arith.ori %shift_right_logical3A_36, %and3A_42 : vector<5000x64xi32>
    %bitcast_convert_type3A_44 = tpu.bitcast %or3A_43 : vector<5000x64xi32> -> vector<5000x64xi32>
    %swap3A_45 = arith.constant 0 : index
    %swap3A_46 = arith.constant 64 : index
    %swap3A_47 = vector.load %arg4[%swap3A_45, %swap3A_46] : memref<5000x128xi32, #tpu.memory_space<vmem>>, vector<5000x64xi32>
    tpu.vector_store %arg4[%swap3A_45, %swap3A_46], %bitcast_convert_type3A_44 {strides = array<i32>} : memref<5000x128xi32, #tpu.memory_space<vmem>>, vector<5000x64xi32>,
    return
  }
  func.func @transform_0(%arg0: i32) -> (i32, i32, i32) {
    %c0_i32 = arith.constant 0 : i32
    %c0_i32_0 = arith.constant 0 : i32
    %c0_i32_1 = arith.constant 0 : i32
    return %arg0, %c0_i32, %c0_i32_0 : i32, i32, i32
  }
  func.func @transform_1(%arg0: i32) -> (i32, i32, i32) {
    %c1_i32 = arith.constant 1 : i32
    %c0_i32 = arith.constant 0 : i32
    %c0_i32_0 = arith.constant 0 : i32
    return %arg0, %c1_i32, %c0_i32 : i32, i32, i32
  }
  func.func @transform_2(%arg0: i32) -> (i32, i32) {
    %c0_i32 = arith.constant 0 : i32
    %c0_i32_0 = arith.constant 0 : i32
    %c0_i32_1 = arith.constant 0 : i32
    return %c0_i32, %c0_i32_0 : i32, i32
  }
  func.func @transform_3(%arg0: i32) -> (i32, i32) {
    %c0_i32 = arith.constant 0 : i32
    %c0_i32_0 = arith.constant 0 : i32
    return %arg0, %c0_i32 : i32, i32
  }
}

module attributes {stable_mosaic.version = 14 : i64} {
  func.func @_mm_body(%arg0: memref<10000x128xf32, #tpu.memory_space<vmem>>, %arg1: memref<128x128xf32, #tpu.memory_space<vmem>>, %arg2: memref<10000x128xf32, #tpu.memory_space<vmem>>) attributes {dimension_semantics = [], scalar_prefetch = 0 : i64, scratch_operands = 0 : i64, tpu.core_type = #tpu.core_type<tc>} {
    %get3A = arith.constant 0 : index
    %get3A_0 = arith.constant 0 : index
    %get3A_1 = vector.load %arg0[%get3A, %get3A_0] : memref<10000x128xf32, #tpu.memory_space<vmem>>, vector<10000x128xf32>
    %get3A_2 = arith.constant 0 : index
    %get3A_3 = arith.constant 0 : index
    %get3A_4 = vector.load %arg1[%get3A_2, %get3A_3] : memref<128x128xf32, #tpu.memory_space<vmem>>, vector<128x128xf32>
    %dot_general3A = arith.constant dense<0.000000e+00> : vector<10000x128xf32>
    %dot_general3A_5 = tpu.matmul %get3A_1, %get3A_4, %dot_general3A {dimension_numbers = #tpu.dot_dimension_numbers<[1], [0], [0], [1], [0, 0, 1, 1], [], []>, transpose_lhs_hint = false} : vector<10000x128xf32>, vector<128x128xf32>, vector<10000x128xf32> -> vector<10000x128xf32>
    %swap3A = arith.constant 0 : index
    %swap3A_6 = arith.constant 0 : index
    %swap3A_7 = vector.load %arg2[%swap3A, %swap3A_6] : memref<10000x128xf32, #tpu.memory_space<vmem>>, vector<10000x128xf32>
    tpu.vector_store %arg2[%swap3A, %swap3A_6], %dot_general3A_5 {strides = array<i32>} : memref<10000x128xf32, #tpu.memory_space<vmem>>, vector<10000x128xf32>,
    return
  }
}

module attributes {stable_mosaic.version = 14 : i64} {
  func.func @_final_body(%arg0: memref<10000x128xf32, #tpu.memory_space<vmem>>, %arg1: memref<2x10000x128xf32, #tpu.memory_space<vmem>>, %arg2: memref<128x128xf32, #tpu.memory_space<vmem>>, %arg3: memref<128x128xf32, #tpu.memory_space<vmem>>, %arg4: memref<10000x128xf32, #tpu.memory_space<vmem>>) attributes {dimension_semantics = [], scalar_prefetch = 0 : i64, scratch_operands = 0 : i64, tpu.core_type = #tpu.core_type<tc>} {
    %get3A = arith.constant 0 : index
    %get3A_0 = arith.constant 0 : index
    %get3A_1 = arith.constant 0 : index
    %get3A_2 = vector.load %arg1[%get3A, %get3A_0, %get3A_1] : memref<2x10000x128xf32, #tpu.memory_space<vmem>>, vector<1x10000x128xf32>
    %get3A_3 = vector.shape_cast %get3A_2 : vector<1x10000x128xf32> to vector<10000x128xf32>
    %get3A_4 = arith.constant 1 : index
    %get3A_5 = arith.constant 0 : index
    %get3A_6 = arith.constant 0 : index
    %get3A_7 = vector.load %arg1[%get3A_4, %get3A_5, %get3A_6] : memref<2x10000x128xf32, #tpu.memory_space<vmem>>, vector<1x10000x128xf32>
    %get3A_8 = vector.shape_cast %get3A_7 : vector<1x10000x128xf32> to vector<10000x128xf32>
    %add3A = arith.addf %get3A_3, %get3A_8 : vector<10000x128xf32>
    %get3A_9 = arith.constant 0 : index
    %get3A_10 = arith.constant 0 : index
    %get3A_11 = vector.load %arg0[%get3A_9, %get3A_10] : memref<10000x128xf32, #tpu.memory_space<vmem>>, vector<10000x128xf32>
    %get3A_12 = arith.constant 0 : index
    %get3A_13 = arith.constant 0 : index
    %get3A_14 = vector.load %arg2[%get3A_12, %get3A_13] : memref<128x128xf32, #tpu.memory_space<vmem>>, vector<128x128xf32>
    %dot_general3A = arith.constant dense<0.000000e+00> : vector<10000x128xf32>
    %dot_general3A_15 = tpu.matmul %get3A_11, %get3A_14, %dot_general3A {dimension_numbers = #tpu.dot_dimension_numbers<[1], [0], [0], [1], [0, 0, 1, 1], [], []>, transpose_lhs_hint = false} : vector<10000x128xf32>, vector<128x128xf32>, vector<10000x128xf32> -> vector<10000x128xf32>
    %get3A_16 = arith.constant 0 : index
    %get3A_17 = arith.constant 0 : index
    %get3A_18 = vector.load %arg3[%get3A_16, %get3A_17] : memref<128x128xf32, #tpu.memory_space<vmem>>, vector<128x128xf32>
    %dot_general3A_19 = arith.constant dense<0.000000e+00> : vector<10000x128xf32>
    %dot_general3A_20 = tpu.matmul %add3A, %get3A_18, %dot_general3A_19 {dimension_numbers = #tpu.dot_dimension_numbers<[1], [0], [0], [1], [0, 0, 1, 1], [], []>, transpose_lhs_hint = false} : vector<10000x128xf32>, vector<128x128xf32>, vector<10000x128xf32> -> vector<10000x128xf32>
    %add3A_21 = arith.addf %dot_general3A_15, %dot_general3A_20 : vector<10000x128xf32>
    %max3A = arith.constant 0.000000e+00 : f32
    %max3A_22 = vector.broadcast %max3A : f32 to vector<10000x128xf32>
    %max3A_23 = arith.maximumf %add3A_21, %max3A_22 : vector<10000x128xf32>
    %get3A_24 = arith.constant 0 : index
    %get3A_25 = arith.constant 0 : index
    %get3A_26 = vector.load %arg0[%get3A_24, %get3A_25] : memref<10000x128xf32, #tpu.memory_space<vmem>>, vector<10000x128xf32>
    %add3A_27 = arith.addf %max3A_23, %get3A_26 : vector<10000x128xf32>
    %swap3A = arith.constant 0 : index
    %swap3A_28 = arith.constant 0 : index
    %swap3A_29 = vector.load %arg4[%swap3A, %swap3A_28] : memref<10000x128xf32, #tpu.memory_space<vmem>>, vector<10000x128xf32>
    tpu.vector_store %arg4[%swap3A, %swap3A_28], %add3A_27 {strides = array<i32>} : memref<10000x128xf32, #tpu.memory_space<vmem>>, vector<10000x128xf32>,
    return
  }
}

</mosaic_0001>

<sc_bundles>
// kernel: kernel.6.cloned.1.call-start
scs
__scs_entry_jumppad:
0x0: {  	(pc) =	sbr.rel $0x88, $3  }
0x1: {  	(tag) =	ssettag $0x0;
	lr =	simm.s32 $0x1  }
0x2: {  	[smem:$0x3F9C] =	sst lr;
	_ =	strace $0xD0000000  }
0x3: {  	_ = 	snop  }
0x4: {  	_ = 	snop  }
0x5: {  	_ = 	snop  }
0x6: {  	_ = 	snop  }
0x7: {  	_ = 	snop  }
__scs_overlays_trampoline_lowered:
0x8: {  	[smem:$0x3FAB] =	sst s0  }
0x9: {  	[smem:$0x3FAC] =	sst s1  }
0xa: {  	[smem:$0x3FAD] =	sst s2  }
0xb: {  	[smem:$0x3FAE] =	sst s3  }
0xc: {  	[smem:$0x3FAF] =	sst s4  }
0xd: {  	[smem:$0x3FB0] =	sst s5  }
0xe: {  	[smem:$0x3FB1] =	sst s6  }
0xf: {  	[smem:$0x3FB2] =	sst s7  }
0x10: {  	[smem:$0x3FB3] =	sst s8  }
0x11: {  	[smem:$0x3FB4] =	sst s9;
	s0 =	simm.s32 @!p0 $0x0  }
0x12: {  	s1 =	sld [smem:$0x3F9A];
	s0 =	simm.s32 @p0 $0x1  }
0x13: {  	[smem:$0x3FB5] =	sst s0;
	s0 =	simm.s32 @!p1 $0x0  }
0x14: {  	s2 =	sld [smem:$0x3F99];
	s0 =	simm.s32 @p1 $0x1  }
0x15: {  	[smem:$0x3FB6] =	sst s0;
	s0 =	simm.s32 @!p2 $0x0  }
0x16: {  	s3 =	sld [smem:$0x3FDB];
	s0 =	simm.s32 @p2 $0x1  }
0x17: {  	s4 =	simm.s32 $0x1BF5;
	[smem:$0x3FB8] =	sst s0  }
0x18: {  	s0 =	sld [smem:$0x3F9B];
	_ =	swait.ge [sflag:s4], $0x0  }
0x19: {  	s7 =	sld [smem:$0x3F9C]  }
0x1a: {  	s8 =	sadd.s32 $0xFFFFE003, lr  }
0x1b: {  	s9 =	sadd.s32 $0xFFFFFEF7, lr;
	s5 =	simm.s32 $0xFFFFFFFF;
	p2 =	slt.u32 s8, $0xFFFFF086  }
0x1c: {  	p1 =	slt.u32 s9, $0xF7A;
	s5 =	simm.s32 @!p2 $0x0  }
0x1d: {  	s5 =	simm.s32 @p1 $0x1;
	p0 =	seq.s32 s7, s2  }
0x1e: {  	s7 =	smul.u32 @!p0 $0xF7A, s2;
	p2 =	seq.s32 @!p0 s5, $0x0  }
0x1f: {  	s9 =	smul.u32 $0xF7A, s1;
	s8 =	simm.s32 @!p0 $0x1BF5;
	p2 =	por !p2, p0  }
0x20: {  	[sflag:s8] =	ssyncset.s32 @!p0 $0xFFFFF086;
	s6 =	sadd.s32 @!p0 s3, s7;
	s7 =	simm.s32 @!p0 $0x108  }
0x21: {  	s3 =	sadd.s32 s3, s9;
	s6 =	sadd.s32 @!p0 $0x88, s6;
	s7 =	simm.s32 @p2 $0x1082  }
0x22: {  	[simem:s7], [sflag:s8] =	dma.local @!p0 [hbm:s6], $0xF7A  }
0x23: {  	s9 =	sor.u32 $0xD0000000, s2;
	s6 =	simm.s32 $0x108;
	_ =	swait.ge @!p0 [sflag:s8], $0x0  }
0x24: {  	s3 =	sadd.s32 $0x88, s3;
	s6 =	simm.s32 @!p1 $0x1082;
	[sflag:s4] =	ssyncset.s32 $0xFFFFF086  }
0x25: {  	[simem:s6], [sflag:s4] =	dma.local [hbm:s3], $0xF7A  }
0x26: {  	[smem:$0x3F9C] =	sst s1;
	(tag) =	ssettag s2;
	_ =	strace s9  }
0x27: {  	s1 =	sld [smem:$0x3FAC]  }
0x28: {  	s2 =	sld [smem:$0x3FAD]  }
0x29: {  	s4 =	sld [smem:$0x3FAF]  }
0x2a: {  	p0 =	seq.s32 s5, $0x0;
	s5 =	sld [smem:$0x3FB0]  }
0x2b: {  	s6 =	sld [smem:$0x3FB1]  }
0x2c: {  	s7 =	sld [smem:$0x3FB2]  }
0x2d: {  	s3 =	simm.s32 $0x108;
	s8 =	sld [smem:$0x3FB3]  }
0x2e: {  	s3 =	simm.s32 @!p0 $0x1082;
	s9 =	sld [smem:$0x3FB4]  }
0x2f: {  	lr =	sadd.s32 s0, s3;
	s0 =	sld [smem:$0x3FAB]  }
0x30: {  	s3 =	sld [smem:$0x3FAE]  }
0x31: {  	[smem:$0x3FB7] =	sst s10  }
0x32: {  	s10 =	sld [smem:$0x3FB5];
	_ =	sdelay $0x3  }
0x33: {  	p0 =	seq.s32 s10, $0x1;
	s10 =	sld [smem:$0x3FB7];
	_ =	sdelay $0x3  }
0x34: {  	[smem:$0x3FB7] =	sst s10  }
0x35: {  	s10 =	sld [smem:$0x3FB6];
	_ =	sdelay $0x3  }
0x36: {  	p1 =	seq.s32 s10, $0x1;
	s10 =	sld [smem:$0x3FB7];
	_ =	sdelay $0x3  }
0x37: {  	[smem:$0x3FB7] =	sst s10  }
0x38: {  	s10 =	sld [smem:$0x3FB8]  }
0x39: {  	_ = 	snop;
	(pc) =	sbr.ind lr, $3  }
0x3a: {  	_ = 	snop  }
0x3b: {  	_ = 	snop  }
0x3c: {  	p2 =	seq.s32 s10, $0x1;
	s10 =	sld [smem:$0x3FB7]  }
0x3d: {  	_ =	shalt  }
0x3e: {  	_ =	shalt  }
0x3f: {  	_ =	shalt  }
0x40: {  	_ =	shalt  }
0x41: {  	_ =	shalt  }
0x42: {  	_ =	shalt  }
0x43: {  	_ =	shalt  }
0x44: {  	_ =	shalt  }
0x45: {  	_ =	shalt  }
0x46: {  	_ =	shalt  }
0x47: {  	_ =	shalt  }
0x48: {  	_ =	shalt  }
0x49: {  	_ =	shalt  }
0x4a: {  	_ =	shalt  }
0x4b: {  	_ =	shalt  }
0x4c: {  	_ =	shalt  }
0x4d: {  	_ =	shalt  }
0x4e: {  	_ =	shalt  }
0x4f: {  	_ =	shalt  }
0x50: {  	_ =	shalt  }
0x51: {  	_ =	shalt  }
0x52: {  	_ =	shalt  }
0x53: {  	_ =	shalt  }
0x54: {  	_ =	shalt  }
0x55: {  	_ =	shalt  }
0x56: {  	_ =	shalt  }
0x57: {  	_ =	shalt  }
0x58: {  	_ =	shalt  }
0x59: {  	_ =	shalt  }
0x5a: {  	_ =	shalt  }
0x5b: {  	_ =	shalt  }
0x5c: {  	_ =	shalt  }
0x5d: {  	_ =	shalt  }
0x5e: {  	_ =	shalt  }
0x5f: {  	_ =	shalt  }
0x60: {  	_ =	shalt  }
0x61: {  	_ =	shalt  }
0x62: {  	_ =	shalt  }
0x63: {  	_ =	shalt  }
0x64: {  	_ =	shalt  }
0x65: {  	_ =	shalt  }
0x66: {  	_ =	shalt  }
0x67: {  	_ =	shalt  }
0x68: {  	_ =	shalt  }
0x69: {  	_ =	shalt  }
0x6a: {  	_ =	shalt  }
0x6b: {  	_ =	shalt  }
0x6c: {  	_ =	shalt  }
0x6d: {  	_ =	shalt  }
0x6e: {  	_ =	shalt  }
0x6f: {  	_ =	shalt  }
0x70: {  	_ =	shalt  }
0x71: {  	_ =	shalt  }
0x72: {  	_ =	shalt  }
0x73: {  	_ =	shalt  }
0x74: {  	_ =	shalt  }
0x75: {  	_ =	shalt  }
0x76: {  	_ =	shalt  }
0x77: {  	_ =	shalt  }
0x78: {  	_ =	shalt  }
0x79: {  	_ =	shalt  }
0x7a: {  	_ =	shalt  }
0x7b: {  	_ =	shalt  }
0x7c: {  	_ =	shalt  }
0x7d: {  	_ =	shalt  }
0x7e: {  	_ =	shalt  }
0x7f: {  	_ =	shalt  }
0x80: {  	_ =	shalt  }
0x81: {  	_ =	shalt  }
0x82: {  	_ =	shalt  }
0x83: {  	_ =	shalt  }
0x84: {  	_ =	shalt  }
0x85: {  	_ =	shalt  }
0x86: {  	_ =	shalt  }
0x87: {  	_ =	shalt  }
.Lfunc_end0:
.L_simem_size_0:
called_computation_lowered:
.L_overlay_start_0:
0x88: {  	s2 =	sld [smem:$0x3FD9]  }
0x89: {  	s3 =	sld [smem:$0x3FFE];
	_ =	sdelay $0x1  }
0x8a: {  	s1 =	srdreg.scid  }
0x8b: {  	s0 =	sand.u32 $0x1, s1  }
0x8c: {  	s17 =	sshll.u32 s0, $0xA;
	s2 =	sadd.s32 s3, s2  }
0x8d: {  	s2 =	sadd.s32 s2, s17  }
0x8e: {  	[smem:$0x3FC3] =	sst s2  }
0x8f: {  	_ = 	snop  }
0x90: {  	s2 =	sld [smem:$0x3FD0];
	(tm) =	ssettm $0x1  }
0x91: {  	s18 =	sld [smem:$0x3FFB];
	_ =	sdelay $0x3  }
0x92: {  	_ =	strace s18  }
0x93: {  	s3 =	sld [smem:$0x3FFC];
	_ =	sdelay $0x3  }
0x94: {  	_ =	strace s3  }
0x95: {  	s3 =	sld [smem:$0x3FFD];
	_ =	sdelay $0x3  }
0x96: {  	_ =	strace s3  }
0x97: {  	_ =	strace $0x8FFFFFFF  }
0x98: {  	s19 =	sld [smem:$0x3FDB];
	_ =	sdelay $0x1  }
0x99: {  	s4 =	simm.s32 $_scs_section_size  }
0x9a: {  	s5 =	simm.s32 $_size__tile_overlayer_lowered;
	s6 =	simm.s32 $_tile_overlayer_lowered  }
0x9b: {  	s22 =	simm.s32 $0x1BFF;
	s21 =	sshll.u32 s6, $0x1;
	s3 =	sadd.s32 s4, s19  }
0x9c: {  	s7 =	simm.s32 $0x0;
	s20 =	sshll.u32 s5, $0x1;
	s5 =	sadd.s32 s21, s3  }
0x9d: {  	[timem:s7], [sflag:s22] =	dma.local [hbm:s5], s20  }
0x9e: {  	_ =	swait.ge [sflag:s22], s20  }
0x9f: {  	s4 =	ssub.s32 $0x0, s20;
	[sflag:s22] =	ssyncset.done $0x0  }
0xa0: {  	[sflag:s22] =	ssyncadd.s32 s4;
	_ =	sdelay $0x1  }
0xa1: {  	s23 =	simm.s32 $0x1B8B  }
0xa2: {  	_ =	swait.ge [sflag:s23], $0x1  }
0xa3: {  	[sflag:s23] =	ssyncset.done $0x0  }
0xa4: {  	s25 =	simm.s32 $0x1B8E;
	s24 =	sld [smem:$0x3FFE];
	[sflag:s23] =	ssyncadd.s32 $0xFFFFFFFF  }
0xa5: {  	s26 =	simm.s32 $execute0_lowered;
	[smem:$0x3FD2] =	sst s25  }
0xa6: {  	s5 =	sshll.u32 s26, $0x1;
	_ =	strace $0x80000046;
	[dreg:$0x1] =	wrdreg $0xFFFFFFFF  }
0xa7: {  	s28 =	simm.s32 $_size_execute0_lowered;
	s3 =	sadd.s32 s3, s5;
	[dreg:$0x0] =	wrdreg $0x0  }
0xa8: {  	s5 =	sshll.u32 s28, $0x1;
	[dreg:$0x2] =	wrdreg s3  }
0xa9: {  	[dreg:$0x3] =	wrdreg s5  }
0xaa: {  	[dreg:$0x4] =	wrdreg $0xC0  }
0xab: {  	_ =	task [dreg:s7], $0x5FFFF  }
0xac: {  	[dreg:$0x1] =	wrdreg $0xFFFFFFFF  }
0xad: {  	[dreg:$0x0] =	wrdreg $0x60  }
0xae: {  	[dreg:$0x2] =	wrdreg s2  }
0xaf: {  	[dreg:$0x3] =	wrdreg s24  }
0xb0: {  	[dreg:$0x4] =	wrdreg $0x7A000  }
0xb1: {  	[dreg:$0x5] =	wrdreg $0x9  }
0xb2: {  	_ =	task.clear_ibuf [dreg:s7], $0x6FFFF;
	_ =	strace $0x90000046  }
0xb3: {  	s29 =	simm.s32 $0x9;
	_ =	strace $0x80000048  }
0xb4: {  	_ =	swait.ge [sflag:s29], $0x1  }
0xb5: {  	[sflag:s29] =	ssyncadd.s32 $0xFFFFFFFF  }
0xb6: {  	_ =	strace $0x90000048  }
0xb7: {  	_ =	sfence  }
0xb8: {  	s30 =	sld [smem:$0x0];
	_ =	sdelay $0x2  }
0xb9: {  	s31 =	sshll.u32 s1, $0xD;
	s1 =	sshrl.u32 s1, $0x2  }
0xba: {  	s3 =	sand.u32 $0x4000, s31;
	s1 =	sadd.s32 s1, s30  }
0xbb: {  	s0 =	sor.u32 s3, s0;
	s1 =	sshll.u32 s1, $0x11  }
0xbc: {  	s0 =	sor.u32 s1, s0  }
0xbd: {  	s0 =	sadd.s32 $0x8F2B, s0  }
0xbe: {  	[sflag:s0] =	ssyncadd.remote.s32 $0x1  }
0xbf: {  	_ =	sfence.sel $0xFFFF  }
0xc0: {  	[dreg:$0x0] =	wrdreg $0xFFFFFFFF;
	(pc) =	sbr.abs _section_cstart, $3  }
0xc1: {  	[dreg:$0x1] =	wrdreg $0xFFFFFFFF  }
0xc2: {  	_ =	task.clear_ibuf [dreg:s7], $0x2FFFF;
	_ =	strace $0x9FFFFFFF  }
0xc3: {  	(tm) =	ssettm $0x7FFFFFFF  }
tec
execute0_lowered:
.L_overlay_start_1:
0x0: {  	(tag) =	ssettag $0x1  }
0x1: {  	s0 =	rddreg [dreg:$0x1]  }
0x2: {  	s2 =	srdreg.scid;
	s15 =	stileid.u32  }
0x3: {  	s3 =	rddreg [dreg:$0x2];
	s4 =	simm.s32 $0x0;
	s28 =	simm.s32 $0x5  }
0x4: {  	s29 =	simm.s32 $0x3;
	s30 =	simm.s32 $0x7;
	s31 =	simm.s32 $0x2  }
0x5: {  	s16 =	simm.s32 $0x6;
	s18 =	simm.s32 $0x8;
	s2 =	sand.u32 $0x1, s2  }
0x6: {  	s5 =	sshll.u32 s15, $0x1;
	s6 =	sadd.s32 $0x4E3800, s0;
	s13 =	smul.u32 $0x50000, s15  }
0x7: {  	[smem:$0x7FF] =	sst s4;
	s7 =	sadd.s32 $0x4F7200, s0;
	s24 =	smul.u32 $0x14000, s15  }
0x8: {  	s9 =	sor.u32 s2, s5;
	s10 =	ssub.s32 $0x2, s2;
	s2 =	smul.u32 $0x138800, s2  }
0x9: {  	s8 =	sadd.s32 $0x1800, s0;
	p0 =	seq.s32 s15, $0xF;
	s5 =	smul.u32 $0x2710, s9  }
0xa: {  	s15 =	simm.s32 $0x4;
	_ =	strace $0x80000047;
	s20 =	smul.u32 $0x13880, s9  }
0xb: {  	s28 =	simm.s32 @!p0 $0x8;
	s19 =	sshrl.u32 s10, $0x1;
	s12 =	smul.u32 $0x7D, s9  }
0xc: {  	s25 =	sshrl.u32 s13, $0x2;
	s9 =	simm.s32 $0x9;
	[dreg:$0x6] =	wrdreg s28  }
0xd: {  	s0 =	ssub.s32 s10, s19;
	s26 =	sadd.s32 s24, s2;
	s24 =	simm.s32 $0x1  }
0xe: {  	s2 =	simm.s32 $0x2A00;
	s10 =	simm.s32 $0x0;
	s11 =	sshrl.u32 s5, $0x3  }
0xf: {  	s14 =	sadd.s32 $0x4E200, s5;
	s23 =	sadd.s32 s7, s20;
	[dreg:$0xb] =	wrdreg s26  }
0x10: {  	s0 =	smax.u32 s0, $0x1;
	s26 =	simm.s32 $0x100;
	[dreg:$0x8] =	wrdreg s23  }
0x11: {  	s1 =	sadd.s32 s6, s11;
	s11 =	simm.s32 $0x5;
	[dreg:$0x9] =	wrdreg s0  }
0x12: {  	s21 =	sshrl.u32 s14, $0x3;
	s0 =	sadd.s32 s25, s3;
	[dreg:$0x4] =	wrdreg s1  }
0x13: {  	s23 =	simm.s32 $0xB;
	s1 =	sadd.s32 $0xA, s1;
	[dreg:$0xa] =	wrdreg s0  }
0x14: {  	s25 =	simm.s32 $0x50;
	s22 =	sadd.s32 s6, s21;
	[dreg:$0x5] =	wrdreg s1  }
0x15: {  	[dreg:$0x7] =	wrdreg s22;
	s1 =	smov.u32 s5;
	s5 =	sadd.s32 $0xF0, s5  }
0x16: {  	v0 =	vimm.f32 $0.0e+00;
	s0 =	simm.s32 $0x180;
	s22 =	simm.s32 $0x200;
	[dreg:$0xc] =	wrdreg s5  }
.LBB2_1:
0x17: {  	[dreg:$0xd] =	wrdreg s10  }
0x18: {  	s5 =	rddreg [dreg:$0x4]  }
0x19: {  	s20 =	rddreg [dreg:$0x5]  }
0x1a: {  	[tilespmem:s4], [sflag:$0x1] =	stream.linear.gather [hbm4b:s5+s4], $0x50, $0x38;
	[tilespmem:$0x1B280] =	vst v63  }
0x1b: {  	s21 =	simm.s32 $0x80;
	s10 =	simm.s32 $0x0;
	s13 =	simm.s32 $0x200  }
0x1c: {  	[tilespmem:s21], [sflag:$0x2] =	stream.linear.gather [hbm4b:s20+s4], $0x50, $0x38;
	[tilespmem:$0x1B280] =	vst v63  }
.LBB2_2:
0x1d: {  	p0 =	sne.s32 s13, $0x9E00;
	[tilespmem:s10+$0x270] =	vst v0  }
0x1e: {  	[tilespmem:s10+$0x200] =	vst v0  }
0x1f: {  	[tilespmem:s10+$0x210] =	vst v0  }
.Ltmp0:
0x20: {  	[tilespmem:s10+$0x220] =	vst v0;
	(pc) =	sbr.rel @p0 .LBB2_2-.Ltmp0, $4  }
0x21: {  	[tilespmem:s10+$0x230] =	vst v0  }
0x22: {  	[tilespmem:s10+$0x240] =	vst v0  }
0x23: {  	[tilespmem:s10+$0x250] =	vst v0  }
0x24: {  	[tilespmem:s10+$0x260] =	vst v0;
	s10 =	sshra.s32 s13, $0x2;
	s13 =	sadd.s32 $0x200, s13  }
0x25: {  	[tilespmem:s10+$0x270] =	vst v0  }
0x26: {  	[tilespmem:s10+$0x200] =	vst v0  }
0x27: {  	[tilespmem:s10+$0x210] =	vst v0  }
0x28: {  	[tilespmem:s10+$0x220] =	vst v0  }
0x29: {  	[tilespmem:s10+$0x230] =	vst v0  }
0x2a: {  	[tilespmem:s10+$0x240] =	vst v0;
	p0 =	sne.s32 s28, $0x1  }
.Ltmp1:
0x2b: {  	[tilespmem:s10+$0x250] =	vst v0;
	(pc) =	sbr.rel @!p0 .LBB2_5-.Ltmp1, $4  }
0x2c: {  	[tilespmem:s10+$0x260] =	vst v0;
	s13 =	rddreg [dreg:$0xa]  }
0x2d: {  	[spmem:s13] =	stream.linear.scatter [tilespmem:s22], [sflag:$0xB], $0x2800, $0x38;
	[tilespmem:$0x1B280] =	vst v63  }
0x2e: {  	_ =	swait.ge [sflag:s23], $0x2800  }
0x2f: {  	s10 =	sadd.s32 $0xFFFFFFFF, s28;
	[sflag:s23] =	ssyncset.done $0x0  }
.LBB2_4:
0x30: {  	p1 =	sne.s32 s10, $0x1;
	[sflag:s23] =	ssyncadd.s32 $0xFFFFD800;
	s13 =	sadd.s32 $0x2800, s13  }
.Ltmp2:
0x31: {  	s10 =	sadd.s32 $0xFFFFFFFF, s10;
	(pc) =	sbr.rel @p1 .LBB2_4-.Ltmp2, $4  }
0x32: {  	_ = 	snop  }
0x33: {  	[spmem:s13] =	stream.linear.scatter [tilespmem:s22], [sflag:$0xB], $0x2800, $0x38;
	[tilespmem:$0x1B280] =	vst v63  }
0x34: {  	_ =	swait.ge [sflag:s23], $0x2800  }
0x35: {  	[sflag:s23] =	ssyncset.done $0x0  }
.LBB2_5:
0x36: {  	[sflag:s23] =	ssyncadd.s32 $0xFFFFD800  }
0x37: {  	_ =	swait.ge [sflag:s24], $0x50  }
0x38: {  	[sflag:s24] =	ssyncset.done $0x0  }
0x39: {  	[sflag:s24] =	ssyncadd.s32 $0xFFFFFFB0  }
0x3a: {  	s13 =	simm.s32 $0x0;
	s5 =	rddreg [dreg:$0x0]  }
0x3b: {  	[tilespmem:s22], [sflag:$0x3] =	stream.indirect.gather [hbm4b:s5+s25], $0x80, s13, s25, $0xb8;
	[tilespmem:$0x1B280] =	vst v63  }
0x3c: {  	s21 =	rddreg [dreg:$0x7]  }
0x3d: {  	[tilespmem:s26], [sflag:$0x5] =	stream.linear.gather [hbm4b:s21+s13], $0x50, $0x38;
	[tilespmem:$0x1B280] =	vst v63  }
0x3e: {  	s10 =	simm.s32 $0x5200;
	s28 =	rddreg [dreg:$0x8]  }
0x3f: {  	[tilespmem:s10], [sflag:$0x7] =	stream.linear.gather [hbm4b:s28+s13], $0x1400, $0x38;
	[tilespmem:$0x1B280] =	vst v63  }
0x40: {  	s19 =	simm.s32 $0x0;
	[bflag:$0x0] =	sbarrier.arrive $0xFFFF  }
.LBB2_6:
0x41: {  	_ =	swait.ge [sflag:s29], $0x2800  }
0x42: {  	[sflag:s29] =	ssyncset.done $0x0  }
0x43: {  	s10 =	sshll.u32 s19, $0x1;
	[sflag:s29] =	ssyncadd.s32 $0xFFFFD800  }
0x44: {  	s20 =	sadd.s32 $0x2, s10;
	_ =	swait.ge [sflag:s11], $0x50  }
0x45: {  	s10 =	smul.u32 $0x50, s20;
	[sflag:s11] =	ssyncset.done $0x0  }
0x46: {  	[sflag:s11] =	ssyncadd.s32 $0xFFFFFFB0  }
0x47: {  	s21 =	sadd.s32 s1, s10;
	_ =	swait.ge [sflag:s30], $0x1400  }
0x48: {  	s21 =	sshrl.u32 s21, $0x3;
	[sflag:s30] =	ssyncset.done $0x0  }
0x49: {  	p1 =	seq.s32 s19, $0x0;
	s21 =	sadd.s32 s6, s21;
	[sflag:s30] =	ssyncadd.s32 $0xFFFFEC00  }
0x4a: {  	[tilespmem:s4], [sflag:$0x1] =	stream.linear.gather [hbm4b:s21+s4], $0x50, $0x38;
	[tilespmem:$0x1B280] =	vst v63  }
0x4b: {  	s21 =	simm.s32 @!p1 $0xA  }
0x4c: {  	_ =	swait.ge @!p1 [sflag:s21], $0x2800  }
0x4d: {  	[sflag:s21] =	ssyncset.done @!p1 $0x0  }
0x4e: {  	[sflag:s21] =	ssyncadd.s32 @!p1 $0xFFFFD800;
	s21 =	sshllo.u32 s19, $0x1  }
0x4f: {  	_ =	swait.ge [sflag:s31], $0x50;
	s28 =	smul.u32 $0x50, s21  }
0x50: {  	s17 =	smov.u32 s3;
	[sflag:s31] =	ssyncset.done $0x0  }
0x51: {  	s3 =	simm.s32 $0x80;
	[sflag:s31] =	ssyncadd.s32 $0xFFFFFFB0;
	s28 =	sadd.s32 s14, s28  }
0x52: {  	s21 =	sadd.s32 s12, s21;
	s5 =	rddreg [dreg:$0x0];
	s28 =	sshrl.u32 s28, $0x3  }
0x53: {  	[tilespmem:s2], [sflag:$0x4] =	stream.indirect.gather [hbm4b:s5+s25], $0x80, s3, s25, $0xb8;
	[tilespmem:$0x1B280] =	vst v63  }
0x54: {  	s21 =	smul.u32 $0x280, s21;
	s28 =	sadd.s32 s6, s28  }
0x55: {  	[tilespmem:s0], [sflag:$0x6] =	stream.linear.gather [hbm4b:s28+s13], $0x50, $0x38;
	[tilespmem:$0x1B280] =	vst v63  }
0x56: {  	s21 =	sadd.s32 s7, s21;
	s5 =	simm.s32 $0x6600  }
0x57: {  	[tilespmem:s5], [sflag:$0x8] =	stream.linear.gather [hbm4b:s21+s13], $0x1400, $0x38;
	[tilespmem:$0x1B280] =	vst v63  }
0x58: {  	s21 =	simm.s32 $0x0  }
0x59: {  	v4 =	vld [tilespmem:s21+$0x5200]  }
0x5a: {  	v5 =	vld [tilespmem:s21+$0x5210]  }
0x5b: {  	v6 =	vld [tilespmem:s21+$0x5220]  }
0x5c: {  	v8 =	vld [tilespmem:s21+$0x5230]  }
0x5d: {  	v7 =	vld [tilespmem:s21+$0x200]  }
0x5e: {  	v10 =	vld [tilespmem:s21+$0x5240]  }
0x5f: {  	v3 =	vld [tilespmem:s21+$0x5250]  }
0x60: {  	v9 =	vld [tilespmem:s21+$0x240]  }
0x61: {  	v11 =	vld [tilespmem:s21+$0x210];
	v13 =	vshll.u32 v4, $0x10  }
0x62: {  	v2 =	vld [tilespmem:s21+$0x5260];
	v7 =	vadd.f32 v13, v7  }
0x63: {  	v12 =	vld [tilespmem:s21+$0x250]  }
0x64: {  	v14 =	vld [tilespmem:s21+$0x220];
	v4 =	vand.u32 $0xFFFF0000, v4;
	v7 =	vmax.f32 v7, $0.0e+00  }
0x65: {  	v1 =	vld [tilespmem:s21+$0x5270];
	v4 =	vadd.f32 v4, v9;
	[tilespmem:s21+$0x200] =	vst v7;
	v7 =	vshll.u32 v5, $0x10  }
0x66: {  	v13 =	vld [tilespmem:s21+$0x260];
	v7 =	vadd.f32 v7, v11  }
0x67: {  	v15 =	vld [tilespmem:s21+$0x230];
	v4 =	vmax.f32 v4, $0.0e+00;
	v5 =	vand.u32 $0xFFFF0000, v5  }
0x68: {  	v9 =	vld [tilespmem:s21+$0x270];
	[tilespmem:s21+$0x240] =	vst v4;
	v4 =	vadd.f32 v5, v12;
	v11 =	vshll.u32 v6, $0x10;
	v5 =	vmax.f32 v7, $0.0e+00  }
0x69: {  	v16 =	vld [tilespmem:s21+$0x1600];
	[tilespmem:s21+$0x210] =	vst v5;
	v5 =	vadd.f32 v11, v14  }
0x6a: {  	v6 =	vand.u32 $0xFFFF0000, v6;
	v7 =	vld [tilespmem:s21+$0x1640];
	v11 =	vmax.f32 v4, $0.0e+00  }
0x6b: {  	v12 =	vshll.u32 v8, $0x10;
	v6 =	vadd.f32 v6, v13;
	v4 =	vld [tilespmem:s21+$0x1610];
	[tilespmem:s21+$0x250] =	vst v11;
	v11 =	vmax.f32 v5, $0.0e+00  }
0x6c: {  	v8 =	vand.u32 $0xFFFF0000, v8;
	v5 =	vld [tilespmem:s21+$0x1650];
	[tilespmem:s21+$0x220] =	vst v11;
	v11 =	vadd.f32 v12, v15  }
0x6d: {  	v9 =	vadd.f32 v8, v9;
	v8 =	vshll.u32 v10, $0x10;
	v12 =	vmax.f32 v6, $0.0e+00;
	v6 =	vld [tilespmem:s21+$0x1620]  }
0x6e: {  	s28 =	simm.s32 $0x200;
	[tilespmem:s21+$0x260] =	vst v12;
	v12 =	vmax.f32 v11, $0.0e+00;
	v11 =	vand.u32 $0xFFFF0000, v10;
	v10 =	vadd.f32 v8, v16;
	v8 =	vld [tilespmem:s21+$0x1660]  }
.LBB2_7:
0x6f: {  	p1 =	sne.s32 s28, $0x4E00;
	[tilespmem:s21+$0x230] =	vst v12;
	v9 =	vmax.f32 v9, $0.0e+00;
	v7 =	vadd.f32 v11, v7;
	v11 =	vshll.u32 v3, $0x10;
	v12 =	vld [tilespmem:s21+$0x1630]  }
0x70: {  	s5 =	sshra.s32 s28, $0x2;
	v3 =	vand.u32 $0xFFFF0000, v3;
	[tilespmem:s21+$0x270] =	vst v9;
	v9 =	vmax.f32 v10, $0.0e+00;
	v4 =	vadd.f32 v11, v4;
	v10 =	vld [tilespmem:s21+$0x1670]  }
0x71: {  	v11 =	vld [tilespmem:s5+$0x5200];
	[tilespmem:s21+$0x1600] =	vst v9;
	v7 =	vmax.f32 v7, $0.0e+00;
	v3 =	vadd.f32 v3, v5;
	v5 =	vshll.u32 v2, $0x10  }
0x72: {  	v2 =	vand.u32 $0xFFFF0000, v2;
	v9 =	vld [tilespmem:s5+$0x5210];
	[tilespmem:s21+$0x1640] =	vst v7;
	v4 =	vmax.f32 v4, $0.0e+00;
	v5 =	vadd.f32 v5, v6  }
0x73: {  	v6 =	vld [tilespmem:s5+$0x5220];
	[tilespmem:s21+$0x1610] =	vst v4;
	v3 =	vmax.f32 v3, $0.0e+00;
	v2 =	vadd.f32 v2, v8;
	v4 =	vshll.u32 v1, $0x10  }
0x74: {  	v1 =	vand.u32 $0xFFFF0000, v1;
	v8 =	vld [tilespmem:s5+$0x5230];
	[tilespmem:s21+$0x1650] =	vst v3;
	v3 =	vmax.f32 v5, $0.0e+00;
	v4 =	vadd.f32 v4, v12  }
0x75: {  	v13 =	vld [tilespmem:s5+$0x5240];
	[tilespmem:s21+$0x1620] =	vst v3;
	v2 =	vmax.f32 v2, $0.0e+00;
	v1 =	vadd.f32 v1, v10  }
0x76: {  	v3 =	vld [tilespmem:s5+$0x5250];
	[tilespmem:s21+$0x1660] =	vst v2;
	v4 =	vmax.f32 v4, $0.0e+00  }
0x77: {  	v2 =	vld [tilespmem:s5+$0x5260];
	[tilespmem:s21+$0x1630] =	vst v4;
	v4 =	vmax.f32 v1, $0.0e+00  }
0x78: {  	v1 =	vld [tilespmem:s5+$0x5270];
	[tilespmem:s21+$0x1670] =	vst v4;
	s21 =	smov.u32 s5  }
0x79: {  	v4 =	vld [tilespmem:s21+$0x200]  }
0x7a: {  	v5 =	vld [tilespmem:s21+$0x240]  }
0x7b: {  	v7 =	vld [tilespmem:s21+$0x210]  }
0x7c: {  	v10 =	vld [tilespmem:s21+$0x250]  }
0x7d: {  	v12 =	vshll.u32 v11, $0x10;
	v14 =	vld [tilespmem:s21+$0x220]  }
0x7e: {  	v11 =	vand.u32 $0xFFFF0000, v11;
	v4 =	vadd.f32 v12, v4;
	v12 =	vld [tilespmem:s21+$0x260]  }
0x7f: {  	v5 =	vadd.f32 v11, v5;
	v11 =	vshll.u32 v9, $0x10;
	v15 =	vld [tilespmem:s21+$0x230]  }
0x80: {  	v9 =	vand.u32 $0xFFFF0000, v9;
	v4 =	vmax.f32 v4, $0.0e+00;
	v7 =	vadd.f32 v11, v7;
	v11 =	vld [tilespmem:s21+$0x270]  }
0x81: {  	[tilespmem:s21+$0x200] =	vst v4;
	v4 =	vmax.f32 v5, $0.0e+00;
	v5 =	vadd.f32 v9, v10;
	v9 =	vshll.u32 v6, $0x10;
	v10 =	vld [tilespmem:s21+$0x1600]  }
.Ltmp3:
0x82: {  	v6 =	vand.u32 $0xFFFF0000, v6;
	[tilespmem:s21+$0x240] =	vst v4;
	v4 =	vmax.f32 v7, $0.0e+00;
	v9 =	vadd.f32 v9, v14;
	v7 =	vld [tilespmem:s21+$0x1640];
	(pc) =	sbr.rel @p1 .LBB2_7-.Ltmp3, $4  }
0x83: {  	[tilespmem:s21+$0x210] =	vst v4;
	v5 =	vmax.f32 v5, $0.0e+00;
	v6 =	vadd.f32 v6, v12;
	v12 =	vshll.u32 v8, $0x10;
	v4 =	vld [tilespmem:s21+$0x1610]  }
0x84: {  	v8 =	vand.u32 $0xFFFF0000, v8;
	[tilespmem:s21+$0x250] =	vst v5;
	v9 =	vmax.f32 v9, $0.0e+00;
	v12 =	vadd.f32 v12, v15;
	v5 =	vld [tilespmem:s21+$0x1650]  }
0x85: {  	[tilespmem:s21+$0x220] =	vst v9;
	v14 =	vmax.f32 v6, $0.0e+00;
	v9 =	vadd.f32 v8, v11;
	v8 =	vshll.u32 v13, $0x10;
	v6 =	vld [tilespmem:s21+$0x1620]  }
0x86: {  	s28 =	sadd.s32 $0x200, s28;
	v11 =	vand.u32 $0xFFFF0000, v13;
	[tilespmem:s21+$0x260] =	vst v14;
	v12 =	vmax.f32 v12, $0.0e+00;
	v10 =	vadd.f32 v8, v10;
	v8 =	vld [tilespmem:s21+$0x1660]  }
0x87: {  	[tilespmem:s21+$0x230] =	vst v12;
	v9 =	vmax.f32 v9, $0.0e+00;
	v12 =	vld [tilespmem:s21+$0x1630];
	v7 =	vadd.f32 v11, v7;
	v11 =	vshll.u32 v3, $0x10  }
0x88: {  	v3 =	vand.u32 $0xFFFF0000, v3;
	[tilespmem:s21+$0x270] =	vst v9;
	v9 =	vmax.f32 v10, $0.0e+00;
	v4 =	vadd.f32 v11, v4;
	v10 =	vld [tilespmem:s21+$0x1670]  }
0x89: {  	[tilespmem:s21+$0x1600] =	vst v9;
	v7 =	vmax.f32 v7, $0.0e+00;
	v3 =	vadd.f32 v3, v5;
	v5 =	vshll.u32 v2, $0x10  }
0x8a: {  	v2 =	vand.u32 $0xFFFF0000, v2;
	[tilespmem:s21+$0x1640] =	vst v7;
	v4 =	vmax.f32 v4, $0.0e+00;
	v5 =	vadd.f32 v5, v6  }
0x8b: {  	[tilespmem:s21+$0x1610] =	vst v4;
	v3 =	vmax.f32 v3, $0.0e+00;
	v2 =	vadd.f32 v2, v8;
	v4 =	vshll.u32 v1, $0x10  }
0x8c: {  	v1 =	vand.u32 $0xFFFF0000, v1;
	[tilespmem:s21+$0x1650] =	vst v3;
	v3 =	vmax.f32 v5, $0.0e+00;
	v4 =	vadd.f32 v4, v12  }
0x8d: {  	[tilespmem:s21+$0x1620] =	vst v3;
	v2 =	vmax.f32 v2, $0.0e+00;
	v1 =	vadd.f32 v1, v10  }
0x8e: {  	[tilespmem:s21+$0x1660] =	vst v2;
	v2 =	vmax.f32 v4, $0.0e+00  }
0x8f: {  	[tilespmem:s21+$0x1630] =	vst v2;
	v1 =	vmax.f32 v1, $0.0e+00  }
0x90: {  	[tilespmem:s21+$0x1670] =	vst v1  }
0x91: {  	[spmem:s17] =	stream.indirect.scatter.add.f32 [tilespmem:s22], [sflag:$0x9], $0x80, s26, s25, $0xb8;
	[tilespmem:$0x1B280] =	vst v63  }
0x92: {  	_ =	swait.ge [sflag:s15], $0x2800  }
0x93: {  	[sflag:s15] =	ssyncset.done $0x0  }
0x94: {  	[sflag:s15] =	ssyncadd.s32 $0xFFFFD800  }
0x95: {  	_ =	swait.ge [sflag:s16], $0x50  }
0x96: {  	[sflag:s16] =	ssyncset.done $0x0  }
0x97: {  	[sflag:s16] =	ssyncadd.s32 $0xFFFFFFB0  }
0x98: {  	_ =	swait.ge [sflag:s18], $0x1400  }
0x99: {  	[sflag:s18] =	ssyncset.done $0x0  }
0x9a: {  	[sflag:s18] =	ssyncadd.s32 $0xFFFFEC00  }
0x9b: {  	_ =	swait.ge [sflag:s9], $0x2800  }
0x9c: {  	[sflag:s9] =	ssyncset.done $0x0  }
0x9d: {  	[sflag:s9] =	ssyncadd.s32 $0xFFFFD800  }
0x9e: {  	_ =	swait.ge [sflag:s24], $0x50  }
0x9f: {  	[sflag:s24] =	ssyncset.done $0x0  }
0xa0: {  	[sflag:s24] =	ssyncadd.s32 $0xFFFFFFB0  }
0xa1: {  	s3 =	smov.u32 s17;
	s17 =	sadd.s32 s14, s10;
	s5 =	rddreg [dreg:$0x0]  }
0xa2: {  	[tilespmem:s22], [sflag:$0x3] =	stream.indirect.gather [hbm4b:s5+s25], $0x80, s4, s25, $0xb8;
	[tilespmem:$0x1B280] =	vst v63  }
0xa3: {  	s5 =	sshrl.u32 s17, $0x3  }
0xa4: {  	s21 =	sadd.s32 s12, s20;
	s5 =	sadd.s32 s6, s5  }
0xa5: {  	[tilespmem:s26], [sflag:$0x5] =	stream.linear.gather [hbm4b:s5+s4], $0x50, $0x38;
	[tilespmem:$0x1B280] =	vst v63  }
0xa6: {  	s5 =	smul.u32 $0x280, s21  }
0xa7: {  	p1 =	seq.s32 s19, $0x3D  }
0xa8: {  	s28 =	simm.s32 $0x5200;
	s10 =	smul.u32 @!p1 $0xA0, s19;
	s5 =	sadd.s32 s7, s5  }
0xa9: {  	[tilespmem:s28], [sflag:$0x7] =	stream.linear.gather [hbm4b:s5+s4], $0x1400, $0x38;
	[tilespmem:$0x1B280] =	vst v63  }
0xaa: {  	s5 =	rddreg [dreg:$0xc]  }
0xab: {  	s5 =	sadd.s32 @!p1 s10, s5  }
0xac: {  	s5 =	sshrl.u32 @!p1 s5, $0x3  }
0xad: {  	s20 =	simm.s32 @!p1 $0x80;
	s10 =	simm.s32 @!p1 $0x0;
	s5 =	sadd.s32 @!p1 s6, s5  }
0xae: {  	[tilespmem:s20], [sflag:$0x2] =	stream.linear.gather @!p1 [hbm4b:s5+s10], $0x50, $0x38;
	[tilespmem:$0x1B280] =	vst v63  }
0xaf: {  	s10 =	simm.s32 $0x0  }
0xb0: {  	v4 =	vld [tilespmem:s10+$0x6600]  }
0xb1: {  	v5 =	vld [tilespmem:s10+$0x6610]  }
0xb2: {  	v6 =	vld [tilespmem:s10+$0x6620]  }
0xb3: {  	v8 =	vld [tilespmem:s10+$0x6630]  }
0xb4: {  	v7 =	vld [tilespmem:s10+$0x2A00]  }
0xb5: {  	v10 =	vld [tilespmem:s10+$0x6640]  }
0xb6: {  	v3 =	vld [tilespmem:s10+$0x6650]  }
0xb7: {  	v9 =	vld [tilespmem:s10+$0x2A40]  }
0xb8: {  	v11 =	vld [tilespmem:s10+$0x2A10];
	v13 =	vshll.u32 v4, $0x10  }
0xb9: {  	v2 =	vld [tilespmem:s10+$0x6660];
	v7 =	vadd.f32 v13, v7  }
0xba: {  	v12 =	vld [tilespmem:s10+$0x2A50]  }
0xbb: {  	v14 =	vld [tilespmem:s10+$0x2A20];
	v4 =	vand.u32 $0xFFFF0000, v4;
	v7 =	vmax.f32 v7, $0.0e+00  }
0xbc: {  	v1 =	vld [tilespmem:s10+$0x6670];
	v4 =	vadd.f32 v4, v9;
	[tilespmem:s10+$0x2A00] =	vst v7;
	v7 =	vshll.u32 v5, $0x10  }
0xbd: {  	v13 =	vld [tilespmem:s10+$0x2A60];
	v7 =	vadd.f32 v7, v11  }
0xbe: {  	v15 =	vld [tilespmem:s10+$0x2A30];
	v4 =	vmax.f32 v4, $0.0e+00;
	v5 =	vand.u32 $0xFFFF0000, v5  }
0xbf: {  	v9 =	vld [tilespmem:s10+$0x2A70];
	[tilespmem:s10+$0x2A40] =	vst v4;
	v4 =	vadd.f32 v5, v12;
	v11 =	vshll.u32 v6, $0x10;
	v5 =	vmax.f32 v7, $0.0e+00  }
0xc0: {  	v16 =	vld [tilespmem:s10+$0x3E00];
	[tilespmem:s10+$0x2A10] =	vst v5;
	v5 =	vadd.f32 v11, v14  }
0xc1: {  	v6 =	vand.u32 $0xFFFF0000, v6;
	v7 =	vld [tilespmem:s10+$0x3E40];
	v11 =	vmax.f32 v4, $0.0e+00  }
0xc2: {  	v12 =	vshll.u32 v8, $0x10;
	v6 =	vadd.f32 v6, v13;
	v4 =	vld [tilespmem:s10+$0x3E10];
	[tilespmem:s10+$0x2A50] =	vst v11;
	v11 =	vmax.f32 v5, $0.0e+00  }
0xc3: {  	v8 =	vand.u32 $0xFFFF0000, v8;
	v5 =	vld [tilespmem:s10+$0x3E50];
	[tilespmem:s10+$0x2A20] =	vst v11;
	v11 =	vadd.f32 v12, v15  }
0xc4: {  	v9 =	vadd.f32 v8, v9;
	v8 =	vshll.u32 v10, $0x10;
	v12 =	vmax.f32 v6, $0.0e+00;
	v6 =	vld [tilespmem:s10+$0x3E20]  }
0xc5: {  	s20 =	simm.s32 $0x200;
	[tilespmem:s10+$0x2A60] =	vst v12;
	v12 =	vmax.f32 v11, $0.0e+00;
	v11 =	vand.u32 $0xFFFF0000, v10;
	v10 =	vadd.f32 v8, v16;
	v8 =	vld [tilespmem:s10+$0x3E60]  }
.LBB2_9:
0xc6: {  	p1 =	sne.s32 s20, $0x4E00;
	[tilespmem:s10+$0x2A30] =	vst v12;
	v9 =	vmax.f32 v9, $0.0e+00;
	v7 =	vadd.f32 v11, v7;
	v11 =	vshll.u32 v3, $0x10;
	v12 =	vld [tilespmem:s10+$0x3E30]  }
0xc7: {  	s5 =	sshra.s32 s20, $0x2;
	v3 =	vand.u32 $0xFFFF0000, v3;
	[tilespmem:s10+$0x2A70] =	vst v9;
	v9 =	vmax.f32 v10, $0.0e+00;
	v4 =	vadd.f32 v11, v4;
	v10 =	vld [tilespmem:s10+$0x3E70]  }
0xc8: {  	v11 =	vld [tilespmem:s5+$0x6600];
	[tilespmem:s10+$0x3E00] =	vst v9;
	v7 =	vmax.f32 v7, $0.0e+00;
	v3 =	vadd.f32 v3, v5;
	v5 =	vshll.u32 v2, $0x10  }
0xc9: {  	v2 =	vand.u32 $0xFFFF0000, v2;
	v9 =	vld [tilespmem:s5+$0x6610];
	[tilespmem:s10+$0x3E40] =	vst v7;
	v4 =	vmax.f32 v4, $0.0e+00;
	v5 =	vadd.f32 v5, v6  }
0xca: {  	v6 =	vld [tilespmem:s5+$0x6620];
	[tilespmem:s10+$0x3E10] =	vst v4;
	v3 =	vmax.f32 v3, $0.0e+00;
	v2 =	vadd.f32 v2, v8;
	v4 =	vshll.u32 v1, $0x10  }
0xcb: {  	v1 =	vand.u32 $0xFFFF0000, v1;
	v8 =	vld [tilespmem:s5+$0x6630];
	[tilespmem:s10+$0x3E50] =	vst v3;
	v3 =	vmax.f32 v5, $0.0e+00;
	v4 =	vadd.f32 v4, v12  }
0xcc: {  	v13 =	vld [tilespmem:s5+$0x6640];
	[tilespmem:s10+$0x3E20] =	vst v3;
	v2 =	vmax.f32 v2, $0.0e+00;
	v1 =	vadd.f32 v1, v10  }
0xcd: {  	v3 =	vld [tilespmem:s5+$0x6650];
	[tilespmem:s10+$0x3E60] =	vst v2;
	v4 =	vmax.f32 v4, $0.0e+00  }
0xce: {  	v2 =	vld [tilespmem:s5+$0x6660];
	[tilespmem:s10+$0x3E30] =	vst v4;
	v4 =	vmax.f32 v1, $0.0e+00  }
0xcf: {  	v1 =	vld [tilespmem:s5+$0x6670];
	[tilespmem:s10+$0x3E70] =	vst v4;
	s10 =	smov.u32 s5  }
0xd0: {  	v4 =	vld [tilespmem:s10+$0x2A00]  }
0xd1: {  	v5 =	vld [tilespmem:s10+$0x2A40]  }
0xd2: {  	v7 =	vld [tilespmem:s10+$0x2A10]  }
0xd3: {  	v10 =	vld [tilespmem:s10+$0x2A50]  }
0xd4: {  	v12 =	vshll.u32 v11, $0x10;
	v14 =	vld [tilespmem:s10+$0x2A20]  }
0xd5: {  	v11 =	vand.u32 $0xFFFF0000, v11;
	v4 =	vadd.f32 v12, v4;
	v12 =	vld [tilespmem:s10+$0x2A60]  }
0xd6: {  	v5 =	vadd.f32 v11, v5;
	v11 =	vshll.u32 v9, $0x10;
	v15 =	vld [tilespmem:s10+$0x2A30]  }
0xd7: {  	v9 =	vand.u32 $0xFFFF0000, v9;
	v4 =	vmax.f32 v4, $0.0e+00;
	v7 =	vadd.f32 v11, v7;
	v11 =	vld [tilespmem:s10+$0x2A70]  }
0xd8: {  	[tilespmem:s10+$0x2A00] =	vst v4;
	v4 =	vmax.f32 v5, $0.0e+00;
	v5 =	vadd.f32 v9, v10;
	v9 =	vshll.u32 v6, $0x10;
	v10 =	vld [tilespmem:s10+$0x3E00]  }
.Ltmp4:
0xd9: {  	v6 =	vand.u32 $0xFFFF0000, v6;
	[tilespmem:s10+$0x2A40] =	vst v4;
	v4 =	vmax.f32 v7, $0.0e+00;
	v9 =	vadd.f32 v9, v14;
	v7 =	vld [tilespmem:s10+$0x3E40];
	(pc) =	sbr.rel @p1 .LBB2_9-.Ltmp4, $4  }
0xda: {  	[tilespmem:s10+$0x2A10] =	vst v4;
	v5 =	vmax.f32 v5, $0.0e+00;
	v6 =	vadd.f32 v6, v12;
	v12 =	vshll.u32 v8, $0x10;
	v4 =	vld [tilespmem:s10+$0x3E10]  }
0xdb: {  	v8 =	vand.u32 $0xFFFF0000, v8;
	[tilespmem:s10+$0x2A50] =	vst v5;
	v9 =	vmax.f32 v9, $0.0e+00;
	v12 =	vadd.f32 v12, v15;
	v5 =	vld [tilespmem:s10+$0x3E50]  }
0xdc: {  	[tilespmem:s10+$0x2A20] =	vst v9;
	v14 =	vmax.f32 v6, $0.0e+00;
	v9 =	vadd.f32 v8, v11;
	v8 =	vshll.u32 v13, $0x10;
	v6 =	vld [tilespmem:s10+$0x3E20]  }
0xdd: {  	s20 =	sadd.s32 $0x200, s20;
	v11 =	vand.u32 $0xFFFF0000, v13;
	[tilespmem:s10+$0x2A60] =	vst v14;
	v12 =	vmax.f32 v12, $0.0e+00;
	v10 =	vadd.f32 v8, v10;
	v8 =	vld [tilespmem:s10+$0x3E60]  }
0xde: {  	[tilespmem:s10+$0x2A30] =	vst v12;
	v9 =	vmax.f32 v9, $0.0e+00;
	v58 =	vld [tilespmem:s10+$0x3E30];
	v7 =	vadd.f32 v11, v7;
	v59 =	vshll.u32 v3, $0x10  }
0xdf: {  	v3 =	vand.u32 $0xFFFF0000, v3;
	v61 =	vld [tilespmem:s10+$0x3E70];
	[tilespmem:s10+$0x2A70] =	vst v9;
	v60 =	vmax.f32 v10, $0.0e+00;
	v4 =	vadd.f32 v59, v4  }
0xe0: {  	v62 =	vshll.u32 v2, $0x10;
	[tilespmem:s10+$0x3E00] =	vst v60;
	v7 =	vmax.f32 v7, $0.0e+00;
	v3 =	vadd.f32 v3, v5  }
0xe1: {  	v2 =	vand.u32 $0xFFFF0000, v2;
	[tilespmem:s10+$0x3E40] =	vst v7;
	v4 =	vmax.f32 v4, $0.0e+00;
	v5 =	vadd.f32 v62, v6  }
0xe2: {  	v63 =	vshll.u32 v1, $0x10;
	s19 =	sadd.s32 $0x1, s19;
	[tilespmem:s10+$0x3E10] =	vst v4;
	v3 =	vmax.f32 v3, $0.0e+00;
	v2 =	vadd.f32 v2, v8  }
0xe3: {  	v1 =	vand.u32 $0xFFFF0000, v1;
	p1 =	sne.s32 s19, $0x3E;
	[tilespmem:s10+$0x3E50] =	vst v3;
	v3 =	vmax.f32 v5, $0.0e+00;
	v4 =	vadd.f32 v63, v58  }
.Ltmp5:
0xe4: {  	v1 =	vadd.f32 v1, v61;
	[tilespmem:s10+$0x3E20] =	vst v3;
	v2 =	vmax.f32 v2, $0.0e+00;
	(pc) =	sbr.rel @p1 .LBB2_6-.Ltmp5, $4  }
0xe5: {  	[tilespmem:s10+$0x3E60] =	vst v2;
	v2 =	vmax.f32 v4, $0.0e+00  }
0xe6: {  	v1 =	vmax.f32 v1, $0.0e+00;
	[tilespmem:s10+$0x3E30] =	vst v2  }
0xe7: {  	[tilespmem:s10+$0x3E70] =	vst v1  }
0xe8: {  	[spmem:s3] =	stream.indirect.scatter.add.f32 [tilespmem:s2], [sflag:$0xA], $0x80, s0, s25, $0xb8;
	[tilespmem:$0x1B280] =	vst v63  }
0xe9: {  	_ =	swait.ge [sflag:s29], $0x2800  }
0xea: {  	[sflag:s29] =	ssyncset.done $0x0  }
0xeb: {  	[sflag:s29] =	ssyncadd.s32 $0xFFFFD800  }
0xec: {  	_ =	swait.ge [sflag:s11], $0x50  }
0xed: {  	[sflag:s11] =	ssyncset.done $0x0  }
0xee: {  	[sflag:s11] =	ssyncadd.s32 $0xFFFFFFB0  }
0xef: {  	_ =	swait.ge [sflag:s30], $0x1400  }
0xf0: {  	[sflag:s30] =	ssyncset.done $0x0  }
0xf1: {  	s5 =	simm.s32 $0xA;
	[sflag:s30] =	ssyncadd.s32 $0xFFFFEC00  }
0xf2: {  	_ =	swait.ge [sflag:s5], $0x2800  }
0xf3: {  	[sflag:s5] =	ssyncset.done $0x0  }
0xf4: {  	s10 =	simm.s32 $0x0;
	[sflag:s5] =	ssyncadd.s32 $0xFFFFD800  }
0xf5: {  	v4 =	vld [tilespmem:s10+$0x5200]  }
0xf6: {  	v5 =	vld [tilespmem:s10+$0x5210]  }
0xf7: {  	v6 =	vld [tilespmem:s10+$0x5220]  }
0xf8: {  	v8 =	vld [tilespmem:s10+$0x5230]  }
0xf9: {  	v7 =	vld [tilespmem:s10+$0x200]  }
0xfa: {  	v10 =	vld [tilespmem:s10+$0x5240]  }
0xfb: {  	v3 =	vld [tilespmem:s10+$0x5250]  }
0xfc: {  	v9 =	vld [tilespmem:s10+$0x240]  }
0xfd: {  	v11 =	vld [tilespmem:s10+$0x210];
	v13 =	vshll.u32 v4, $0x10  }
0xfe: {  	v2 =	vld [tilespmem:s10+$0x5260];
	v7 =	vadd.f32 v13, v7  }
0xff: {  	v12 =	vld [tilespmem:s10+$0x250]  }
0x100: {  	v14 =	vld [tilespmem:s10+$0x220];
	v4 =	vand.u32 $0xFFFF0000, v4;
	v7 =	vmax.f32 v7, $0.0e+00  }
0x101: {  	v1 =	vld [tilespmem:s10+$0x5270];
	v4 =	vadd.f32 v4, v9;
	[tilespmem:s10+$0x200] =	vst v7;
	v7 =	vshll.u32 v5, $0x10  }
0x102: {  	v13 =	vld [tilespmem:s10+$0x260];
	v7 =	vadd.f32 v7, v11  }
0x103: {  	v15 =	vld [tilespmem:s10+$0x230];
	v4 =	vmax.f32 v4, $0.0e+00;
	v5 =	vand.u32 $0xFFFF0000, v5  }
0x104: {  	v9 =	vld [tilespmem:s10+$0x270];
	[tilespmem:s10+$0x240] =	vst v4;
	v4 =	vadd.f32 v5, v12;
	v11 =	vshll.u32 v6, $0x10;
	v5 =	vmax.f32 v7, $0.0e+00  }
0x105: {  	v16 =	vld [tilespmem:s10+$0x1600];
	[tilespmem:s10+$0x210] =	vst v5;
	v5 =	vadd.f32 v11, v14  }
0x106: {  	v6 =	vand.u32 $0xFFFF0000, v6;
	v7 =	vld [tilespmem:s10+$0x1640];
	v11 =	vmax.f32 v4, $0.0e+00  }
0x107: {  	v12 =	vshll.u32 v8, $0x10;
	v6 =	vadd.f32 v6, v13;
	v4 =	vld [tilespmem:s10+$0x1610];
	[tilespmem:s10+$0x250] =	vst v11;
	v11 =	vmax.f32 v5, $0.0e+00  }
0x108: {  	v8 =	vand.u32 $0xFFFF0000, v8;
	v5 =	vld [tilespmem:s10+$0x1650];
	[tilespmem:s10+$0x220] =	vst v11;
	v11 =	vadd.f32 v12, v15  }
0x109: {  	v9 =	vadd.f32 v8, v9;
	v8 =	vshll.u32 v10, $0x10;
	v12 =	vmax.f32 v6, $0.0e+00;
	v6 =	vld [tilespmem:s10+$0x1620]  }
0x10a: {  	s13 =	simm.s32 $0x200;
	[tilespmem:s10+$0x260] =	vst v12;
	v12 =	vmax.f32 v11, $0.0e+00;
	v11 =	vand.u32 $0xFFFF0000, v10;
	v10 =	vadd.f32 v8, v16;
	v8 =	vld [tilespmem:s10+$0x1660]  }
.LBB2_12:
0x10b: {  	p1 =	sne.s32 s13, $0x4E00;
	[tilespmem:s10+$0x230] =	vst v12;
	v9 =	vmax.f32 v9, $0.0e+00;
	v7 =	vadd.f32 v11, v7;
	v11 =	vshll.u32 v3, $0x10;
	v12 =	vld [tilespmem:s10+$0x1630]  }
0x10c: {  	s5 =	sshra.s32 s13, $0x2;
	v3 =	vand.u32 $0xFFFF0000, v3;
	[tilespmem:s10+$0x270] =	vst v9;
	v9 =	vmax.f32 v10, $0.0e+00;
	v4 =	vadd.f32 v11, v4;
	v10 =	vld [tilespmem:s10+$0x1670]  }
0x10d: {  	v11 =	vld [tilespmem:s5+$0x5200];
	[tilespmem:s10+$0x1600] =	vst v9;
	v7 =	vmax.f32 v7, $0.0e+00;
	v3 =	vadd.f32 v3, v5;
	v5 =	vshll.u32 v2, $0x10  }
0x10e: {  	v2 =	vand.u32 $0xFFFF0000, v2;
	v9 =	vld [tilespmem:s5+$0x5210];
	[tilespmem:s10+$0x1640] =	vst v7;
	v4 =	vmax.f32 v4, $0.0e+00;
	v5 =	vadd.f32 v5, v6  }
0x10f: {  	v6 =	vld [tilespmem:s5+$0x5220];
	[tilespmem:s10+$0x1610] =	vst v4;
	v3 =	vmax.f32 v3, $0.0e+00;
	v2 =	vadd.f32 v2, v8;
	v4 =	vshll.u32 v1, $0x10  }
0x110: {  	v1 =	vand.u32 $0xFFFF0000, v1;
	v8 =	vld [tilespmem:s5+$0x5230];
	[tilespmem:s10+$0x1650] =	vst v3;
	v3 =	vmax.f32 v5, $0.0e+00;
	v4 =	vadd.f32 v4, v12  }
0x111: {  	v13 =	vld [tilespmem:s5+$0x5240];
	[tilespmem:s10+$0x1620] =	vst v3;
	v2 =	vmax.f32 v2, $0.0e+00;
	v1 =	vadd.f32 v1, v10  }
0x112: {  	v3 =	vld [tilespmem:s5+$0x5250];
	[tilespmem:s10+$0x1660] =	vst v2;
	v4 =	vmax.f32 v4, $0.0e+00  }
0x113: {  	v2 =	vld [tilespmem:s5+$0x5260];
	[tilespmem:s10+$0x1630] =	vst v4;
	v4 =	vmax.f32 v1, $0.0e+00  }
0x114: {  	v1 =	vld [tilespmem:s5+$0x5270];
	[tilespmem:s10+$0x1670] =	vst v4;
	s10 =	smov.u32 s5  }
0x115: {  	v4 =	vld [tilespmem:s10+$0x200]  }
0x116: {  	v5 =	vld [tilespmem:s10+$0x240]  }
0x117: {  	v7 =	vld [tilespmem:s10+$0x210]  }
0x118: {  	v10 =	vld [tilespmem:s10+$0x250]  }
0x119: {  	v12 =	vshll.u32 v11, $0x10;
	v14 =	vld [tilespmem:s10+$0x220]  }
0x11a: {  	v11 =	vand.u32 $0xFFFF0000, v11;
	v4 =	vadd.f32 v12, v4;
	v12 =	vld [tilespmem:s10+$0x260]  }
0x11b: {  	v5 =	vadd.f32 v11, v5;
	v11 =	vshll.u32 v9, $0x10;
	v15 =	vld [tilespmem:s10+$0x230]  }
0x11c: {  	v9 =	vand.u32 $0xFFFF0000, v9;
	v4 =	vmax.f32 v4, $0.0e+00;
	v7 =	vadd.f32 v11, v7;
	v11 =	vld [tilespmem:s10+$0x270]  }
0x11d: {  	[tilespmem:s10+$0x200] =	vst v4;
	v4 =	vmax.f32 v5, $0.0e+00;
	v5 =	vadd.f32 v9, v10;
	v9 =	vshll.u32 v6, $0x10;
	v10 =	vld [tilespmem:s10+$0x1600]  }
.Ltmp6:
0x11e: {  	v6 =	vand.u32 $0xFFFF0000, v6;
	[tilespmem:s10+$0x240] =	vst v4;
	v4 =	vmax.f32 v7, $0.0e+00;
	v9 =	vadd.f32 v9, v14;
	v7 =	vld [tilespmem:s10+$0x1640];
	(pc) =	sbr.rel @p1 .LBB2_12-.Ltmp6, $4  }
0x11f: {  	[tilespmem:s10+$0x210] =	vst v4;
	v5 =	vmax.f32 v5, $0.0e+00;
	v6 =	vadd.f32 v6, v12;
	v12 =	vshll.u32 v8, $0x10;
	v4 =	vld [tilespmem:s10+$0x1610]  }
0x120: {  	v8 =	vand.u32 $0xFFFF0000, v8;
	[tilespmem:s10+$0x250] =	vst v5;
	v9 =	vmax.f32 v9, $0.0e+00;
	v12 =	vadd.f32 v12, v15;
	v5 =	vld [tilespmem:s10+$0x1650]  }
0x121: {  	[tilespmem:s10+$0x220] =	vst v9;
	v14 =	vmax.f32 v6, $0.0e+00;
	v9 =	vadd.f32 v8, v11;
	v8 =	vshll.u32 v13, $0x10;
	v6 =	vld [tilespmem:s10+$0x1620]  }
0x122: {  	s13 =	sadd.s32 $0x200, s13;
	v11 =	vand.u32 $0xFFFF0000, v13;
	[tilespmem:s10+$0x260] =	vst v14;
	v12 =	vmax.f32 v12, $0.0e+00;
	v10 =	vadd.f32 v8, v10;
	v8 =	vld [tilespmem:s10+$0x1660]  }
0x123: {  	[tilespmem:s10+$0x230] =	vst v12;
	v9 =	vmax.f32 v9, $0.0e+00;
	v58 =	vld [tilespmem:s10+$0x1630];
	v7 =	vadd.f32 v11, v7;
	v59 =	vshll.u32 v3, $0x10  }
0x124: {  	v3 =	vand.u32 $0xFFFF0000, v3;
	v61 =	vld [tilespmem:s10+$0x1670];
	[tilespmem:s10+$0x270] =	vst v9;
	v60 =	vmax.f32 v10, $0.0e+00;
	v4 =	vadd.f32 v59, v4  }
0x125: {  	v62 =	vshll.u32 v2, $0x10;
	[tilespmem:s10+$0x1600] =	vst v60;
	v7 =	vmax.f32 v7, $0.0e+00;
	v3 =	vadd.f32 v3, v5  }
0x126: {  	v2 =	vand.u32 $0xFFFF0000, v2;
	[tilespmem:s10+$0x1640] =	vst v7;
	v4 =	vmax.f32 v4, $0.0e+00;
	v5 =	vadd.f32 v62, v6  }
0x127: {  	v63 =	vshll.u32 v1, $0x10;
	[tilespmem:s10+$0x1610] =	vst v4;
	v3 =	vmax.f32 v3, $0.0e+00;
	v2 =	vadd.f32 v2, v8  }
0x128: {  	v1 =	vand.u32 $0xFFFF0000, v1;
	[tilespmem:s10+$0x1650] =	vst v3;
	v3 =	vmax.f32 v5, $0.0e+00;
	v4 =	vadd.f32 v63, v58  }
0x129: {  	v1 =	vadd.f32 v1, v61;
	[tilespmem:s10+$0x1620] =	vst v3;
	v2 =	vmax.f32 v2, $0.0e+00  }
0x12a: {  	[tilespmem:s10+$0x1660] =	vst v2;
	v2 =	vmax.f32 v4, $0.0e+00  }
0x12b: {  	v1 =	vmax.f32 v1, $0.0e+00;
	[tilespmem:s10+$0x1630] =	vst v2  }
0x12c: {  	[tilespmem:s10+$0x1670] =	vst v1  }
0x12d: {  	[spmem:s3] =	stream.indirect.scatter.add.f32 [tilespmem:s22], [sflag:$0x9], $0x80, s26, s25, $0xb8;
	[tilespmem:$0x1B280] =	vst v63  }
0x12e: {  	_ =	swait.ge [sflag:s9], $0x2800  }
0x12f: {  	[sflag:s9] =	ssyncset.done $0x0  }
0x130: {  	[sflag:s9] =	ssyncadd.s32 $0xFFFFD800  }
0x131: {  	s5 =	stileid.u32;
	[bflag:$0x0] =	sbarrier.arrive $0xFFFF  }
0x132: {  	s5 =	sshll.u32 s5, $0x6;
	s21 =	rddreg [dreg:$0xb]  }
.Ltmp7:
0x133: {  	s20 =	rddreg [dreg:$0xa];
	s19 =	sshrl.u32 s21, $0x3;
	(pc) =	sbr.rel @!p0 .LBB2_15-.Ltmp7, $4  }
0x134: {  	s10 =	sor.u32 $0x1C0B, s5;
	s13 =	sshrl.u32 s20, $0x3;
	s19 =	sadd.s32 s8, s19  }
0x135: {  	[hbm:s19], [sflag:s10] =	dma.local [spmem:s13], $0x500  }
0x136: {  	s28 =	rddreg [dreg:$0x6]  }
0x137: {  	s19 =	sadd.s32 $0x2800, s21;
	s13 =	sadd.s32 $0xFFFFFFFF, s28  }
.LBB2_14:
0x138: {  	_ =	swait.ge [sflag:s23], $0x500  }
0x139: {  	s20 =	sadd.s32 $0x2800, s20;
	s5 =	sshrl.u32 s19, $0x3;
	p0 =	sne.s32 s13, $0x1  }
.Ltmp8:
0x13a: {  	s21 =	sshrl.u32 s20, $0x3;
	[sflag:s23] =	ssyncset.done $0x0;
	(pc) =	sbr.rel @p0 .LBB2_14-.Ltmp8, $4  }
0x13b: {  	s5 =	sadd.s32 s8, s5;
	[sflag:s23] =	ssyncadd.s32 $0xFFFFFB00  }
0x13c: {  	[hbm:s5], [sflag:s10] =	dma.local [spmem:s21], $0x500  }
0x13d: {  	s13 =	sadd.s32 $0xFFFFFFFF, s13  }
0x13e: {  	s19 =	sadd.s32 $0x2800, s19  }
.LBB2_15:
0x13f: {  	_ =	swait.ge [sflag:s23], $0x500  }
0x140: {  	s10 =	rddreg [dreg:$0xd]  }
0x141: {  	s5 =	rddreg [dreg:$0x9];
	s10 =	sadd.s32 $0x1, s10  }
0x142: {  	p0 =	sne.s32 s10, s5  }
.Ltmp9:
0x143: {  	_ = 	snop;
	(pc) =	sbr.rel @p0 .LBB2_1-.Ltmp9, $3  }
0x144: {  	_ =	sdelay $0x1  }
0x145: {  	[sflag:s23] =	ssyncset.done $0x0  }
0x146: {  	[sflag:s23] =	ssyncadd.s32 $0xFFFFFB00  }
0x147: {  	_ =	sfence.sel $0x180000  }
0x148: {  	[bflag:$0x0] =	sbarrier.arrive $0xFFFF  }
0x149: {  	_ =	strace $0x90000047  }
0x14a: {  	s0 =	stileid.u32;
	[bflag:$0x2] =	sbarrier.arrive $0xFFFF  }
0x14b: {  	p0 =	sne.s32 s0, $0x0;
	s0 =	rddreg [dreg:$0x3]  }
0x14c: {  	s0 =	sadd.s32 @!p0 $0x100000, s0  }
0x14d: {  	[sflag:s0] =	ssyncadd.tile.s32 @!p0 $0x1;
	_ =	shalt  }
.Lfunc_end2:
_tile_overlayer_lowered:
.L_overlay_start_2:
0x14e: {  	(tag) =	ssettag $0x2  }
0x14f: {  	s0 =	rddreg [dreg:$0x0];
	s2 =	stileid.u32  }
0x150: {  	s1 =	rddreg [dreg:$0x1];
	p0 =	sne.s32 s2, $0x0  }
0x151: {  	s3 =	rddreg [dreg:$0x2];
	[bflag:$0x3] =	sbarrier.arrive $0xFFFF;
	s2 =	simm.s32 @!p0 $0x1C0B  }
0x152: {  	[timem:s3], [sflag:s2] =	dma.local @!p0 [hbm:s0], s1  }
0x153: {  	s0 =	simm.s32 @!p0 $0xB  }
0x154: {  	_ =	swait.ge @!p0 [sflag:s0], s1  }
0x155: {  	s1 =	ssub.s32 @!p0 $0x0, s1;
	[sflag:s0] =	ssyncset.done @!p0 $0x0  }
0x156: {  	[sflag:s0] =	ssyncadd.s32 @!p0 s1  }
0x157: {  	[bflag:$0x3] =	sbarrier.arrive $0xFFFF  }
0x158: {  	_ =	shalt  }

</sc_bundles>
